<compile_context>
chip_gen: v7x
topology: tpu7x:2x2x1
jax: 0.10.2.dev20260603
libtpu: 0.0.44.dev20260713+nightly
codegen_flags: <defaults>
</compile_context>

<pallas_src>
import functools

import jax
import jax.numpy as jnp
from jax import lax
from jax.experimental import pallas as pl
from jax.experimental.pallas import tpu as pltpu
from jax.experimental.pallas import tpu_sc as plsc

N = 10000
E = 320000
D = 128
HD = 64
NLAYERS = 3
NC = 2
NS = 16
CHUNK = 128
NCHUNK = 157
EDGES_PAD = NS * NCHUNK * CHUNK
NPAD = 10112
ROWS_PER = NPAD // NS

BLK = 2000
NBLK = N // BLK


def _sc_propagate(x_halves, src_p, dst_p, zeros_rows):
  mesh = plsc.VectorSubcoreMesh(core_axis_name="c", subcore_axis_name="s")

  @functools.partial(
      pl.kernel,
      out_type=jax.ShapeDtypeStruct((NLAYERS, NC, NPAD, HD), jnp.float32),
      mesh=mesh,
      compiler_params=pltpu.CompilerParams(use_tc_tiling_on_sc=False),
      scratch_types=[
          pltpu.VMEM((NCHUNK, CHUNK), jnp.int32),
          pltpu.VMEM((NCHUNK, CHUNK), jnp.int32),
          pltpu.VMEM((CHUNK, HD), jnp.float32),
          pltpu.VMEM_SHARED((NPAD, HD), jnp.float32),
          pltpu.SemaphoreType.DMA,
      ],
  )
  def sc_kernel(x_hbm, src_hbm, dst_hbm, zeros_hbm, out_hbm,
                src_v, dst_v, rows_v, accum, sem):
    c = lax.axis_index("c")
    s = lax.axis_index("s")
    row0 = s * ROWS_PER
    pltpu.sync_copy(src_hbm.at[s], src_v)
    pltpu.sync_copy(dst_hbm.at[s], dst_v)
    pltpu.sync_copy(zeros_hbm.at[pl.ds(row0, ROWS_PER)],
                    accum.at[pl.ds(row0, ROWS_PER)])
    plsc.subcore_barrier()

    for layer in range(NLAYERS):
      if layer == 0:
        table = x_hbm.at[c]
      else:
        table = out_hbm.at[layer - 1, c]

      @plsc.parallel_loop(0, NCHUNK, 1, unroll=4)
      def chunk_body(j):
        pltpu.async_copy(table.at[src_v.at[j]], rows_v, sem).wait()
        pltpu.sync_copy(rows_v, accum.at[dst_v.at[j]], add=True)

      plsc.subcore_barrier()
      pltpu.sync_copy(accum.at[pl.ds(row0, ROWS_PER)],
                      out_hbm.at[layer, c, pl.ds(row0, ROWS_PER)])
      if layer < NLAYERS - 1:
        pltpu.sync_copy(zeros_hbm.at[pl.ds(row0, ROWS_PER)],
                        accum.at[pl.ds(row0, ROWS_PER)])
      plsc.subcore_barrier()

  return sc_kernel(x_halves, src_p, dst_p, zeros_rows)


def _gru_body(m_ref, x_ref, wl_ref, wh_ref, whh_ref, bih_ref, bhh_ref,
              out_ref):
  wl = wl_ref[...]
  wh = wh_ref[...]
  whh = whh_ref[...]
  bih = bih_ref[...]
  bhh = bhh_ref[...]
  dn = (((1,), (1,)), ((), ()))
  h = jnp.zeros((BLK, D), jnp.float32)
  seq = [(m_ref[2, 0], m_ref[2, 1]),
         (m_ref[1, 0], m_ref[1, 1]),
         (m_ref[0, 0], m_ref[0, 1]),
         (x_ref[0], x_ref[1])]
  for lo, hi in seq:
    gi = (lax.dot_general(lo, wl, dn, preferred_element_type=jnp.float32)
          + lax.dot_general(hi, wh, dn, preferred_element_type=jnp.float32)
          + bih)
    gh = lax.dot_general(h, whh, dn, preferred_element_type=jnp.float32) + bhh
    r = jax.nn.sigmoid(gi[:, :D] + gh[:, :D])
    z = jax.nn.sigmoid(gi[:, D:2 * D] + gh[:, D:2 * D])
    n = jnp.tanh(gi[:, 2 * D:] + r * gh[:, 2 * D:])
    h = (1.0 - z) * n + z * h
  out_ref[...] = h


def _tc_gru(msgs, x_halves, W_ih, W_hh, b_ih, b_hh):
  wl = W_ih[:, :HD]
  wh = W_ih[:, HD:]
  bih = b_ih.reshape(1, 3 * D)
  bhh = b_hh.reshape(1, 3 * D)
  return pl.pallas_call(
      _gru_body,
      grid=(NBLK,),
      in_specs=[
          pl.BlockSpec((NLAYERS, NC, BLK, HD), lambda i: (0, 0, i, 0)),
          pl.BlockSpec((NC, BLK, HD), lambda i: (0, i, 0)),
          pl.BlockSpec((3 * D, HD), lambda i: (0, 0)),
          pl.BlockSpec((3 * D, HD), lambda i: (0, 0)),
          pl.BlockSpec((3 * D, D), lambda i: (0, 0)),
          pl.BlockSpec((1, 3 * D), lambda i: (0, 0)),
          pl.BlockSpec((1, 3 * D), lambda i: (0, 0)),
      ],
      out_specs=pl.BlockSpec((BLK, D), lambda i: (i, 0)),
      out_shape=jax.ShapeDtypeStruct((N, D), jnp.float32),
  )(msgs, x_halves, wl, wh, W_hh, bih, bhh)


def kernel(x, ei, W_ih, W_hh, b_ih, b_hh):
  src = ei[0].astype(jnp.int32)
  dst = ei[1].astype(jnp.int32)
  pad = EDGES_PAD - E
  trash = N + (jnp.arange(pad, dtype=jnp.int32) % (NPAD - N))
  src_p = jnp.concatenate([src, jnp.zeros((pad,), jnp.int32)])
  dst_p = jnp.concatenate([dst, trash])
  src_p = src_p.reshape(NS, NCHUNK, CHUNK)
  dst_p = dst_p.reshape(NS, NCHUNK, CHUNK)
  x_halves = jnp.stack([x[:, :HD], x[:, HD:]])
  zeros_rows = jnp.zeros((NPAD, HD), jnp.float32)
  msgs = _sc_propagate(x_halves, src_p, dst_p, zeros_rows)
  return _tc_gru(msgs, x_halves, W_ih, W_hh, b_ih, b_hh)

# --- scband reference (transcript-rebuilt; emitter-appended) ---
"""Pipeline reference for scband-tree-gruconv-11304353923841 (READ-ONLY COPY).

The authoritative reference and input builder live on the scoring server;
editing this copy changes nothing except your own understanding.
"""

import jax, jax.numpy as jnp
import numpy as np

N_NODES = 10000
N_EDGES = 320000
IN_FEATS = 128
HIDDEN = 128
LAYERS = 3


def setup_inputs(seed: int = 0) -> dict:
    key = jax.random.key(seed)
    k_x, k_ei, k_wih, k_whh, k_bih, k_bhh = jax.random.split(key, 6)
    x = jax.random.normal(k_x, (N_NODES, IN_FEATS), dtype=jnp.float32)
    ei = jax.random.randint(k_ei, (2, N_EDGES), 0, N_NODES, dtype=jnp.int64)
    s = 1.0 / np.sqrt(HIDDEN)
    W_ih = jax.random.uniform(k_wih, (3 * HIDDEN, IN_FEATS), minval=-s, maxval=s, dtype=jnp.float32)
    W_hh = jax.random.uniform(k_whh, (3 * HIDDEN, HIDDEN), minval=-s, maxval=s, dtype=jnp.float32)
    b_ih = jax.random.uniform(k_bih, (3 * HIDDEN,), minval=-s, maxval=s, dtype=jnp.float32)
    b_hh = jax.random.uniform(k_bhh, (3 * HIDDEN,), minval=-s, maxval=s, dtype=jnp.float32)
    return {"x": x, "ei": ei, "W_ih": W_ih, "W_hh": W_hh, "b_ih": b_ih, "b_hh": b_hh}


def _propagate(ei, x):
    # PyG default MessagePassing: message = x_j (source), sum-aggregate at dst
    src = ei[0]
    dst = ei[1]
    return jax.ops.segment_sum(x[src], dst, num_segments=x.shape[0])


def _gru_last_hidden(seq, W_ih, W_hh, b_ih, b_hh):
    # single-layer GRU over seq [T, B, F]; return final hidden [B, H]
    T, B, _ = seq.shape
    h = jnp.zeros((B, HIDDEN), dtype=seq.dtype)
    for t in range(T):
        x_t = seq[t]
        gi = x_t @ W_ih.T + b_ih
        gh = h @ W_hh.T + b_hh
        i_r, i_z, i_n = jnp.split(gi, 3, axis=-1)
        h_r, h_z, h_n = jnp.split(gh, 3, axis=-1)
        r = jax.nn.sigmoid(i_r + h_r)
        z = jax.nn.sigmoid(i_z + h_z)
        n = jnp.tanh(i_n + r * h_n)
        h = (1.0 - z) * n + z * h
    return h


def reference(x, ei, W_ih, W_hh, b_ih, b_hh):
    msg = [x]
    for _ in range(LAYERS):
        new_msg = _propagate(ei, msg[0])
        msg = [new_msg] + msg
    seq = jnp.stack(msg)  # [LAYERS+1, N, IN_FEATS]
    return _gru_last_hidden(seq, W_ih, W_hh, b_ih, b_hh)

if __name__ == "__main__":
    import jax
    _d = setup_inputs()
    print(jax.jit(kernel)(*tuple(_d.values())))

</pallas_src>

<mosaic_0001>
#map = affine_map<(d0, d1) -> (0, 0, 0)>
#map1 = affine_map<(d0, d1) -> (0, 0)>
#map2 = affine_map<(d0, d1) -> (0, 0, 0, 0)>
module attributes {stable_mosaic.version = 14 : i64} {
  func.func @sc_kernel(%arg0: i32, %arg1: i32, %arg2: memref<2x10000x64xf32, #tpu.memory_space<hbm>>, %arg3: memref<16x157x128xi32, #tpu.memory_space<hbm>>, %arg4: memref<16x157x128xi32, #tpu.memory_space<hbm>>, %arg5: memref<10112x64xf32, #tpu.memory_space<hbm>>, %arg6: memref<3x2x10112x64xf32, #tpu.memory_space<hbm>>, %arg7: memref<157x128xi32, #tpu.memory_space<vmem>>, %arg8: memref<157x128xi32, #tpu.memory_space<vmem>>, %arg9: memref<128x64xf32, #tpu.memory_space<vmem>>, %arg10: memref<10112x64xf32, #tpu.memory_space<vmem_shared>>, %arg11: memref<!tpu.dma_semaphore, #tpu.memory_space<semaphore_mem>>) attributes {dimension_semantics = [#tpu.dimension_semantics<core_parallel>, #tpu.dimension_semantics<subcore_parallel>], iteration_bounds = array<i64: 2, 16>, scalar_prefetch = 0 : i64, scratch_operands = 5 : i64, tpu.core_type = #tpu.core_type<sc_vector_subcore>, window_params = [{transform_indices = #map}, {transform_indices = #map}, {transform_indices = #map}, {transform_indices = #map1}, {transform_indices = #map2}]} {
    %mul3A = arith.constant 632 : i32
    %mul3A_0 = arith.muli %arg1, %mul3A : i32
    "tpu.region"() ({
      %run_scoped3A_19 = tpu.sem_alloc : memref<!tpu.dma_semaphore, #tpu.memory_space<semaphore_mem>>
      %dma_start3A = arith.constant 0 : i32
      %dma_start3A_20 = arith.constant 0 : i32
      %dma_start3A_21 = tpu.memref_slice %arg3[%arg1, %dma_start3A, %dma_start3A_20] : memref<16x157x128xi32, #tpu.memory_space<hbm>> -> memref<1x157x128xi32, #tpu.memory_space<hbm>>
      %dma_start3A_22 = tpu.memref_squeeze %dma_start3A_21 : memref<1x157x128xi32, #tpu.memory_space<hbm>> -> memref<157x128xi32, #tpu.memory_space<hbm>>
      %dma_start3A_23 = arith.constant 0 : i32
      %dma_start3A_24 = arith.constant 0 : i32
      %dma_start3A_25 = tpu.memref_slice %arg3[%arg1, %dma_start3A_23, %dma_start3A_24] : memref<16x157x128xi32, #tpu.memory_space<hbm>> -> memref<1x157x128xi32, #tpu.memory_space<hbm>>
      %dma_start3A_26 = tpu.memref_squeeze %dma_start3A_25 : memref<1x157x128xi32, #tpu.memory_space<hbm>> -> memref<157x128xi32, #tpu.memory_space<hbm>>
      tpu.enqueue_dma source(%dma_start3A_26 : memref<157x128xi32, #tpu.memory_space<hbm>>) target(%arg7 : memref<157x128xi32, #tpu.memory_space<vmem>>) target_semaphore(%run_scoped3A_19 : memref<!tpu.dma_semaphore, #tpu.memory_space<semaphore_mem>>)
      %dma_wait3A = arith.constant 0 : i32
      %dma_wait3A_27 = arith.constant 0 : i32
      %dma_wait3A_28 = tpu.memref_slice %arg3[%arg1, %dma_wait3A, %dma_wait3A_27] : memref<16x157x128xi32, #tpu.memory_space<hbm>> -> memref<1x157x128xi32, #tpu.memory_space<hbm>>
      %dma_wait3A_29 = tpu.memref_squeeze %dma_wait3A_28 : memref<1x157x128xi32, #tpu.memory_space<hbm>> -> memref<157x128xi32, #tpu.memory_space<hbm>>
      %dma_wait3A_30 = arith.constant 0 : i32
      %dma_wait3A_31 = arith.constant 0 : i32
      %dma_wait3A_32 = tpu.memref_slice %arg3[%arg1, %dma_wait3A_30, %dma_wait3A_31] : memref<16x157x128xi32, #tpu.memory_space<hbm>> -> memref<1x157x128xi32, #tpu.memory_space<hbm>>
      %dma_wait3A_33 = tpu.memref_squeeze %dma_wait3A_32 : memref<1x157x128xi32, #tpu.memory_space<hbm>> -> memref<157x128xi32, #tpu.memory_space<hbm>>
      tpu.wait_dma2 semaphore(%run_scoped3A_19 : memref<!tpu.dma_semaphore, #tpu.memory_space<semaphore_mem>>) src(%dma_wait3A_33 : memref<157x128xi32, #tpu.memory_space<hbm>>) dst(%arg7 : memref<157x128xi32, #tpu.memory_space<vmem>>)
      tpu.yield
    }) : () -> ()
    "tpu.region"() ({
      %run_scoped3A_19 = tpu.sem_alloc : memref<!tpu.dma_semaphore, #tpu.memory_space<semaphore_mem>>
      %dma_start3A = arith.constant 0 : i32
      %dma_start3A_20 = arith.constant 0 : i32
      %dma_start3A_21 = tpu.memref_slice %arg4[%arg1, %dma_start3A, %dma_start3A_20] : memref<16x157x128xi32, #tpu.memory_space<hbm>> -> memref<1x157x128xi32, #tpu.memory_space<hbm>>
      %dma_start3A_22 = tpu.memref_squeeze %dma_start3A_21 : memref<1x157x128xi32, #tpu.memory_space<hbm>> -> memref<157x128xi32, #tpu.memory_space<hbm>>
      %dma_start3A_23 = arith.constant 0 : i32
      %dma_start3A_24 = arith.constant 0 : i32
      %dma_start3A_25 = tpu.memref_slice %arg4[%arg1, %dma_start3A_23, %dma_start3A_24] : memref<16x157x128xi32, #tpu.memory_space<hbm>> -> memref<1x157x128xi32, #tpu.memory_space<hbm>>
      %dma_start3A_26 = tpu.memref_squeeze %dma_start3A_25 : memref<1x157x128xi32, #tpu.memory_space<hbm>> -> memref<157x128xi32, #tpu.memory_space<hbm>>
      tpu.enqueue_dma source(%dma_start3A_26 : memref<157x128xi32, #tpu.memory_space<hbm>>) target(%arg8 : memref<157x128xi32, #tpu.memory_space<vmem>>) target_semaphore(%run_scoped3A_19 : memref<!tpu.dma_semaphore, #tpu.memory_space<semaphore_mem>>)
      %dma_wait3A = arith.constant 0 : i32
      %dma_wait3A_27 = arith.constant 0 : i32
      %dma_wait3A_28 = tpu.memref_slice %arg4[%arg1, %dma_wait3A, %dma_wait3A_27] : memref<16x157x128xi32, #tpu.memory_space<hbm>> -> memref<1x157x128xi32, #tpu.memory_space<hbm>>
      %dma_wait3A_29 = tpu.memref_squeeze %dma_wait3A_28 : memref<1x157x128xi32, #tpu.memory_space<hbm>> -> memref<157x128xi32, #tpu.memory_space<hbm>>
      %dma_wait3A_30 = arith.constant 0 : i32
      %dma_wait3A_31 = arith.constant 0 : i32
      %dma_wait3A_32 = tpu.memref_slice %arg4[%arg1, %dma_wait3A_30, %dma_wait3A_31] : memref<16x157x128xi32, #tpu.memory_space<hbm>> -> memref<1x157x128xi32, #tpu.memory_space<hbm>>
      %dma_wait3A_33 = tpu.memref_squeeze %dma_wait3A_32 : memref<1x157x128xi32, #tpu.memory_space<hbm>> -> memref<157x128xi32, #tpu.memory_space<hbm>>
      tpu.wait_dma2 semaphore(%run_scoped3A_19 : memref<!tpu.dma_semaphore, #tpu.memory_space<semaphore_mem>>) src(%dma_wait3A_33 : memref<157x128xi32, #tpu.memory_space<hbm>>) dst(%arg8 : memref<157x128xi32, #tpu.memory_space<vmem>>)
      tpu.yield
    }) : () -> ()
    "tpu.region"() ({
      %run_scoped3A_19 = tpu.sem_alloc : memref<!tpu.dma_semaphore, #tpu.memory_space<semaphore_mem>>
      %dma_start3A = arith.constant 0 : i32
      %dma_start3A_20 = tpu.memref_slice %arg10[%mul3A_0, %dma_start3A] : memref<10112x64xf32, #tpu.memory_space<vmem_shared>> -> memref<632x64xf32, #tpu.memory_space<vmem_shared>>
      %dma_start3A_21 = arith.constant 0 : i32
      %dma_start3A_22 = tpu.memref_slice %arg5[%mul3A_0, %dma_start3A_21] : memref<10112x64xf32, #tpu.memory_space<hbm>> -> memref<632x64xf32, #tpu.memory_space<hbm>>
      tpu.enqueue_dma source(%dma_start3A_22 : memref<632x64xf32, #tpu.memory_space<hbm>>) target(%dma_start3A_20 : memref<632x64xf32, #tpu.memory_space<vmem_shared>>) target_semaphore(%run_scoped3A_19 : memref<!tpu.dma_semaphore, #tpu.memory_space<semaphore_mem>>)
      %dma_wait3A = arith.constant 0 : i32
      %dma_wait3A_23 = tpu.memref_slice %arg10[%mul3A_0, %dma_wait3A] : memref<10112x64xf32, #tpu.memory_space<vmem_shared>> -> memref<632x64xf32, #tpu.memory_space<vmem_shared>>
      %dma_wait3A_24 = arith.constant 0 : i32
      %dma_wait3A_25 = tpu.memref_slice %arg5[%mul3A_0, %dma_wait3A_24] : memref<10112x64xf32, #tpu.memory_space<hbm>> -> memref<632x64xf32, #tpu.memory_space<hbm>>
      tpu.wait_dma2 semaphore(%run_scoped3A_19 : memref<!tpu.dma_semaphore, #tpu.memory_space<semaphore_mem>>) src(%dma_wait3A_25 : memref<632x64xf32, #tpu.memory_space<hbm>>) dst(%dma_wait3A_23 : memref<632x64xf32, #tpu.memory_space<vmem_shared>>)
      tpu.yield
    }) : () -> ()
    %barrier3A = arith.constant 0 : index
    tpu.barrier barrier_id(%barrier3A)
    %parallel_loop3A = arith.constant 0 : i32
    %parallel_loop3A_1 = arith.constant 157 : i32
    %parallel_loop3A_2 = arith.constant 1 : i32
    scf.for %parallel_loop3A_19 = %parallel_loop3A to %parallel_loop3A_1 step %parallel_loop3A_2  : i32 {
      %parallel_loop3A_20 = arith.constant 0 : i32
      %parallel_loop3A_21 = tpu.memref_slice %arg7[%parallel_loop3A_19, %parallel_loop3A_20] : memref<157x128xi32, #tpu.memory_space<vmem>> -> memref<1x128xi32, #tpu.memory_space<vmem>>
      %parallel_loop3A_22 = tpu.memref_squeeze %parallel_loop3A_21 : memref<1x128xi32, #tpu.memory_space<vmem>> -> memref<128xi32, #tpu.memory_space<vmem>>
      %parallel_loop3A_23 = arith.constant 0 : i32
      %parallel_loop3A_24 = arith.constant 0 : i32
      %parallel_loop3A_25 = tpu.memref_slice %arg2[%arg0, %parallel_loop3A_23, %parallel_loop3A_24] : memref<2x10000x64xf32, #tpu.memory_space<hbm>> -> memref<1x10000x64xf32, #tpu.memory_space<hbm>>
      %parallel_loop3A_26 = tpu.memref_squeeze %parallel_loop3A_25 : memref<1x10000x64xf32, #tpu.memory_space<hbm>> -> memref<10000x64xf32, #tpu.memory_space<hbm>>
      %parallel_loop3A_27 = arith.constant 0 : i32
      %parallel_loop3A_28 = arith.constant 0 : i32
      %parallel_loop3A_29 = tpu.memref_slice %parallel_loop3A_26[%parallel_loop3A_27, %parallel_loop3A_28] : memref<10000x64xf32, #tpu.memory_space<hbm>> -> memref<10000x64xf32, #tpu.memory_space<hbm>>
      tpu.enqueue_indirect_dma source(%parallel_loop3A_29 : memref<10000x64xf32, #tpu.memory_space<hbm>>) target(%arg9 : memref<128x64xf32, #tpu.memory_space<vmem>>) offsets(%parallel_loop3A_22 : memref<128xi32, #tpu.memory_space<vmem>>) semaphore(%arg11 : memref<!tpu.dma_semaphore, #tpu.memory_space<semaphore_mem>>)
      %parallel_loop3A_30 = arith.constant 0 : i32
      %parallel_loop3A_31 = tpu.memref_slice %arg7[%parallel_loop3A_19, %parallel_loop3A_30] : memref<157x128xi32, #tpu.memory_space<vmem>> -> memref<1x128xi32, #tpu.memory_space<vmem>>
      %parallel_loop3A_32 = tpu.memref_squeeze %parallel_loop3A_31 : memref<1x128xi32, #tpu.memory_space<vmem>> -> memref<128xi32, #tpu.memory_space<vmem>>
      %parallel_loop3A_33 = arith.constant 0 : i32
      %parallel_loop3A_34 = arith.constant 0 : i32
      %parallel_loop3A_35 = tpu.memref_slice %arg2[%arg0, %parallel_loop3A_33, %parallel_loop3A_34] : memref<2x10000x64xf32, #tpu.memory_space<hbm>> -> memref<1x10000x64xf32, #tpu.memory_space<hbm>>
      %parallel_loop3A_36 = tpu.memref_squeeze %parallel_loop3A_35 : memref<1x10000x64xf32, #tpu.memory_space<hbm>> -> memref<10000x64xf32, #tpu.memory_space<hbm>>
      %parallel_loop3A_37 = arith.constant 0 : i32
      %parallel_loop3A_38 = arith.constant 0 : i32
      %parallel_loop3A_39 = tpu.memref_slice %parallel_loop3A_36[%parallel_loop3A_37, %parallel_loop3A_38] : memref<10000x64xf32, #tpu.memory_space<hbm>> -> memref<10000x64xf32, #tpu.memory_space<hbm>>
      tpu.wait_indirect_dma semaphore(%arg11 : memref<!tpu.dma_semaphore, #tpu.memory_space<semaphore_mem>>) src(%parallel_loop3A_39 : memref<10000x64xf32, #tpu.memory_space<hbm>>) dst(%arg9 : memref<128x64xf32, #tpu.memory_space<vmem>>)
      "tpu.region"() ({
        %parallel_loop3A_40 = tpu.sem_alloc : memref<!tpu.dma_semaphore, #tpu.memory_space<semaphore_mem>>
        %parallel_loop3A_41 = arith.constant 0 : i32
        %parallel_loop3A_42 = tpu.memref_slice %arg8[%parallel_loop3A_19, %parallel_loop3A_41] : memref<157x128xi32, #tpu.memory_space<vmem>> -> memref<1x128xi32, #tpu.memory_space<vmem>>
        %parallel_loop3A_43 = tpu.memref_squeeze %parallel_loop3A_42 : memref<1x128xi32, #tpu.memory_space<vmem>> -> memref<128xi32, #tpu.memory_space<vmem>>
        %parallel_loop3A_44 = arith.constant 0 : i32
        %parallel_loop3A_45 = arith.constant 0 : i32
        %parallel_loop3A_46 = tpu.memref_slice %arg10[%parallel_loop3A_44, %parallel_loop3A_45] : memref<10112x64xf32, #tpu.memory_space<vmem_shared>> -> memref<10112x64xf32, #tpu.memory_space<vmem_shared>>
        tpu.enqueue_indirect_dma source(%arg9 : memref<128x64xf32, #tpu.memory_space<vmem>>) target(%parallel_loop3A_46 : memref<10112x64xf32, #tpu.memory_space<vmem_shared>>) offsets(%parallel_loop3A_43 : memref<128xi32, #tpu.memory_space<vmem>>) semaphore(%parallel_loop3A_40 : memref<!tpu.dma_semaphore, #tpu.memory_space<semaphore_mem>>) {add = true}
        %parallel_loop3A_47 = arith.constant 0 : i32
        %parallel_loop3A_48 = tpu.memref_slice %arg8[%parallel_loop3A_19, %parallel_loop3A_47] : memref<157x128xi32, #tpu.memory_space<vmem>> -> memref<1x128xi32, #tpu.memory_space<vmem>>
        %parallel_loop3A_49 = tpu.memref_squeeze %parallel_loop3A_48 : memref<1x128xi32, #tpu.memory_space<vmem>> -> memref<128xi32, #tpu.memory_space<vmem>>
        %parallel_loop3A_50 = arith.constant 0 : i32
        %parallel_loop3A_51 = arith.constant 0 : i32
        %parallel_loop3A_52 = tpu.memref_slice %arg10[%parallel_loop3A_50, %parallel_loop3A_51] : memref<10112x64xf32, #tpu.memory_space<vmem_shared>> -> memref<10112x64xf32, #tpu.memory_space<vmem_shared>>
        tpu.wait_indirect_dma semaphore(%parallel_loop3A_40 : memref<!tpu.dma_semaphore, #tpu.memory_space<semaphore_mem>>) src(%arg9 : memref<128x64xf32, #tpu.memory_space<vmem>>) dst(%parallel_loop3A_52 : memref<10112x64xf32, #tpu.memory_space<vmem_shared>>)
        tpu.yield
      }) : () -> ()
    } {sc.loop_unroll_factor = 4 : i64, sc.parallel_access}
    %barrier3A_3 = arith.constant 0 : index
    tpu.barrier barrier_id(%barrier3A_3)
    %run_scoped3A = arith.constant 0 : i32
    "tpu.region"() ({
      %run_scoped3A_19 = tpu.sem_alloc : memref<!tpu.dma_semaphore, #tpu.memory_space<semaphore_mem>>
      %dma_start3A = arith.constant 0 : i32
      %dma_start3A_20 = tpu.memref_slice %arg6[%run_scoped3A, %arg0, %mul3A_0, %dma_start3A] : memref<3x2x10112x64xf32, #tpu.memory_space<hbm>> -> memref<1x1x632x64xf32, #tpu.memory_space<hbm>>
      %dma_start3A_21 = tpu.memref_squeeze %dma_start3A_20 : memref<1x1x632x64xf32, #tpu.memory_space<hbm>> -> memref<632x64xf32, #tpu.memory_space<hbm>>
      %dma_start3A_22 = arith.constant 0 : i32
      %dma_start3A_23 = tpu.memref_slice %arg10[%mul3A_0, %dma_start3A_22] : memref<10112x64xf32, #tpu.memory_space<vmem_shared>> -> memref<632x64xf32, #tpu.memory_space<vmem_shared>>
      tpu.enqueue_dma source(%dma_start3A_23 : memref<632x64xf32, #tpu.memory_space<vmem_shared>>) target(%dma_start3A_21 : memref<632x64xf32, #tpu.memory_space<hbm>>) target_semaphore(%run_scoped3A_19 : memref<!tpu.dma_semaphore, #tpu.memory_space<semaphore_mem>>)
      %dma_wait3A = arith.constant 0 : i32
      %dma_wait3A_24 = tpu.memref_slice %arg6[%run_scoped3A, %arg0, %mul3A_0, %dma_wait3A] : memref<3x2x10112x64xf32, #tpu.memory_space<hbm>> -> memref<1x1x632x64xf32, #tpu.memory_space<hbm>>
      %dma_wait3A_25 = tpu.memref_squeeze %dma_wait3A_24 : memref<1x1x632x64xf32, #tpu.memory_space<hbm>> -> memref<632x64xf32, #tpu.memory_space<hbm>>
      %dma_wait3A_26 = arith.constant 0 : i32
      %dma_wait3A_27 = tpu.memref_slice %arg10[%mul3A_0, %dma_wait3A_26] : memref<10112x64xf32, #tpu.memory_space<vmem_shared>> -> memref<632x64xf32, #tpu.memory_space<vmem_shared>>
      tpu.wait_dma2 semaphore(%run_scoped3A_19 : memref<!tpu.dma_semaphore, #tpu.memory_space<semaphore_mem>>) src(%dma_wait3A_27 : memref<632x64xf32, #tpu.memory_space<vmem_shared>>) dst(%dma_wait3A_25 : memref<632x64xf32, #tpu.memory_space<hbm>>)
      tpu.yield
    }) : () -> ()
    "tpu.region"() ({
      %run_scoped3A_19 = tpu.sem_alloc : memref<!tpu.dma_semaphore, #tpu.memory_space<semaphore_mem>>
      %dma_start3A = arith.constant 0 : i32
      %dma_start3A_20 = tpu.memref_slice %arg10[%mul3A_0, %dma_start3A] : memref<10112x64xf32, #tpu.memory_space<vmem_shared>> -> memref<632x64xf32, #tpu.memory_space<vmem_shared>>
      %dma_start3A_21 = arith.constant 0 : i32
      %dma_start3A_22 = tpu.memref_slice %arg5[%mul3A_0, %dma_start3A_21] : memref<10112x64xf32, #tpu.memory_space<hbm>> -> memref<632x64xf32, #tpu.memory_space<hbm>>
      tpu.enqueue_dma source(%dma_start3A_22 : memref<632x64xf32, #tpu.memory_space<hbm>>) target(%dma_start3A_20 : memref<632x64xf32, #tpu.memory_space<vmem_shared>>) target_semaphore(%run_scoped3A_19 : memref<!tpu.dma_semaphore, #tpu.memory_space<semaphore_mem>>)
      %dma_wait3A = arith.constant 0 : i32
      %dma_wait3A_23 = tpu.memref_slice %arg10[%mul3A_0, %dma_wait3A] : memref<10112x64xf32, #tpu.memory_space<vmem_shared>> -> memref<632x64xf32, #tpu.memory_space<vmem_shared>>
      %dma_wait3A_24 = arith.constant 0 : i32
      %dma_wait3A_25 = tpu.memref_slice %arg5[%mul3A_0, %dma_wait3A_24] : memref<10112x64xf32, #tpu.memory_space<hbm>> -> memref<632x64xf32, #tpu.memory_space<hbm>>
      tpu.wait_dma2 semaphore(%run_scoped3A_19 : memref<!tpu.dma_semaphore, #tpu.memory_space<semaphore_mem>>) src(%dma_wait3A_25 : memref<632x64xf32, #tpu.memory_space<hbm>>) dst(%dma_wait3A_23 : memref<632x64xf32, #tpu.memory_space<vmem_shared>>)
      tpu.yield
    }) : () -> ()
    %barrier3A_4 = arith.constant 0 : index
    tpu.barrier barrier_id(%barrier3A_4)
    %parallel_loop3A_5 = arith.constant 0 : i32
    %parallel_loop3A_6 = arith.constant 157 : i32
    %parallel_loop3A_7 = arith.constant 1 : i32
    %parallel_loop3A_8 = arith.constant 0 : i32
    scf.for %parallel_loop3A_19 = %parallel_loop3A_5 to %parallel_loop3A_6 step %parallel_loop3A_7  : i32 {
      %parallel_loop3A_20 = arith.constant 0 : i32
      %parallel_loop3A_21 = tpu.memref_slice %arg7[%parallel_loop3A_19, %parallel_loop3A_20] : memref<157x128xi32, #tpu.memory_space<vmem>> -> memref<1x128xi32, #tpu.memory_space<vmem>>
      %parallel_loop3A_22 = tpu.memref_squeeze %parallel_loop3A_21 : memref<1x128xi32, #tpu.memory_space<vmem>> -> memref<128xi32, #tpu.memory_space<vmem>>
      %parallel_loop3A_23 = arith.constant 0 : i32
      %parallel_loop3A_24 = arith.constant 0 : i32
      %parallel_loop3A_25 = tpu.memref_slice %arg6[%parallel_loop3A_8, %arg0, %parallel_loop3A_23, %parallel_loop3A_24] : memref<3x2x10112x64xf32, #tpu.memory_space<hbm>> -> memref<1x1x10112x64xf32, #tpu.memory_space<hbm>>
      %parallel_loop3A_26 = tpu.memref_squeeze %parallel_loop3A_25 : memref<1x1x10112x64xf32, #tpu.memory_space<hbm>> -> memref<10112x64xf32, #tpu.memory_space<hbm>>
      %parallel_loop3A_27 = arith.constant 0 : i32
      %parallel_loop3A_28 = arith.constant 0 : i32
      %parallel_loop3A_29 = tpu.memref_slice %parallel_loop3A_26[%parallel_loop3A_27, %parallel_loop3A_28] : memref<10112x64xf32, #tpu.memory_space<hbm>> -> memref<10112x64xf32, #tpu.memory_space<hbm>>
      tpu.enqueue_indirect_dma source(%parallel_loop3A_29 : memref<10112x64xf32, #tpu.memory_space<hbm>>) target(%arg9 : memref<128x64xf32, #tpu.memory_space<vmem>>) offsets(%parallel_loop3A_22 : memref<128xi32, #tpu.memory_space<vmem>>) semaphore(%arg11 : memref<!tpu.dma_semaphore, #tpu.memory_space<semaphore_mem>>)
      %parallel_loop3A_30 = arith.constant 0 : i32
      %parallel_loop3A_31 = tpu.memref_slice %arg7[%parallel_loop3A_19, %parallel_loop3A_30] : memref<157x128xi32, #tpu.memory_space<vmem>> -> memref<1x128xi32, #tpu.memory_space<vmem>>
      %parallel_loop3A_32 = tpu.memref_squeeze %parallel_loop3A_31 : memref<1x128xi32, #tpu.memory_space<vmem>> -> memref<128xi32, #tpu.memory_space<vmem>>
      %parallel_loop3A_33 = arith.constant 0 : i32
      %parallel_loop3A_34 = arith.constant 0 : i32
      %parallel_loop3A_35 = tpu.memref_slice %arg6[%parallel_loop3A_8, %arg0, %parallel_loop3A_33, %parallel_loop3A_34] : memref<3x2x10112x64xf32, #tpu.memory_space<hbm>> -> memref<1x1x10112x64xf32, #tpu.memory_space<hbm>>
      %parallel_loop3A_36 = tpu.memref_squeeze %parallel_loop3A_35 : memref<1x1x10112x64xf32, #tpu.memory_space<hbm>> -> memref<10112x64xf32, #tpu.memory_space<hbm>>
      %parallel_loop3A_37 = arith.constant 0 : i32
      %parallel_loop3A_38 = arith.constant 0 : i32
      %parallel_loop3A_39 = tpu.memref_slice %parallel_loop3A_36[%parallel_loop3A_37, %parallel_loop3A_38] : memref<10112x64xf32, #tpu.memory_space<hbm>> -> memref<10112x64xf32, #tpu.memory_space<hbm>>
      tpu.wait_indirect_dma semaphore(%arg11 : memref<!tpu.dma_semaphore, #tpu.memory_space<semaphore_mem>>) src(%parallel_loop3A_39 : memref<10112x64xf32, #tpu.memory_space<hbm>>) dst(%arg9 : memref<128x64xf32, #tpu.memory_space<vmem>>)
      "tpu.region"() ({
        %parallel_loop3A_40 = tpu.sem_alloc : memref<!tpu.dma_semaphore, #tpu.memory_space<semaphore_mem>>
        %parallel_loop3A_41 = arith.constant 0 : i32
        %parallel_loop3A_42 = tpu.memref_slice %arg8[%parallel_loop3A_19, %parallel_loop3A_41] : memref<157x128xi32, #tpu.memory_space<vmem>> -> memref<1x128xi32, #tpu.memory_space<vmem>>
        %parallel_loop3A_43 = tpu.memref_squeeze %parallel_loop3A_42 : memref<1x128xi32, #tpu.memory_space<vmem>> -> memref<128xi32, #tpu.memory_space<vmem>>
        %parallel_loop3A_44 = arith.constant 0 : i32
        %parallel_loop3A_45 = arith.constant 0 : i32
        %parallel_loop3A_46 = tpu.memref_slice %arg10[%parallel_loop3A_44, %parallel_loop3A_45] : memref<10112x64xf32, #tpu.memory_space<vmem_shared>> -> memref<10112x64xf32, #tpu.memory_space<vmem_shared>>
        tpu.enqueue_indirect_dma source(%arg9 : memref<128x64xf32, #tpu.memory_space<vmem>>) target(%parallel_loop3A_46 : memref<10112x64xf32, #tpu.memory_space<vmem_shared>>) offsets(%parallel_loop3A_43 : memref<128xi32, #tpu.memory_space<vmem>>) semaphore(%parallel_loop3A_40 : memref<!tpu.dma_semaphore, #tpu.memory_space<semaphore_mem>>) {add = true}
        %parallel_loop3A_47 = arith.constant 0 : i32
        %parallel_loop3A_48 = tpu.memref_slice %arg8[%parallel_loop3A_19, %parallel_loop3A_47] : memref<157x128xi32, #tpu.memory_space<vmem>> -> memref<1x128xi32, #tpu.memory_space<vmem>>
        %parallel_loop3A_49 = tpu.memref_squeeze %parallel_loop3A_48 : memref<1x128xi32, #tpu.memory_space<vmem>> -> memref<128xi32, #tpu.memory_space<vmem>>
        %parallel_loop3A_50 = arith.constant 0 : i32
        %parallel_loop3A_51 = arith.constant 0 : i32
        %parallel_loop3A_52 = tpu.memref_slice %arg10[%parallel_loop3A_50, %parallel_loop3A_51] : memref<10112x64xf32, #tpu.memory_space<vmem_shared>> -> memref<10112x64xf32, #tpu.memory_space<vmem_shared>>
        tpu.wait_indirect_dma semaphore(%parallel_loop3A_40 : memref<!tpu.dma_semaphore, #tpu.memory_space<semaphore_mem>>) src(%arg9 : memref<128x64xf32, #tpu.memory_space<vmem>>) dst(%parallel_loop3A_52 : memref<10112x64xf32, #tpu.memory_space<vmem_shared>>)
        tpu.yield
      }) : () -> ()
    } {sc.loop_unroll_factor = 4 : i64, sc.parallel_access}
    %barrier3A_9 = arith.constant 0 : index
    tpu.barrier barrier_id(%barrier3A_9)
    %run_scoped3A_10 = arith.constant 1 : i32
    "tpu.region"() ({
      %run_scoped3A_19 = tpu.sem_alloc : memref<!tpu.dma_semaphore, #tpu.memory_space<semaphore_mem>>
      %dma_start3A = arith.constant 0 : i32
      %dma_start3A_20 = tpu.memref_slice %arg6[%run_scoped3A_10, %arg0, %mul3A_0, %dma_start3A] : memref<3x2x10112x64xf32, #tpu.memory_space<hbm>> -> memref<1x1x632x64xf32, #tpu.memory_space<hbm>>
      %dma_start3A_21 = tpu.memref_squeeze %dma_start3A_20 : memref<1x1x632x64xf32, #tpu.memory_space<hbm>> -> memref<632x64xf32, #tpu.memory_space<hbm>>
      %dma_start3A_22 = arith.constant 0 : i32
      %dma_start3A_23 = tpu.memref_slice %arg10[%mul3A_0, %dma_start3A_22] : memref<10112x64xf32, #tpu.memory_space<vmem_shared>> -> memref<632x64xf32, #tpu.memory_space<vmem_shared>>
      tpu.enqueue_dma source(%dma_start3A_23 : memref<632x64xf32, #tpu.memory_space<vmem_shared>>) target(%dma_start3A_21 : memref<632x64xf32, #tpu.memory_space<hbm>>) target_semaphore(%run_scoped3A_19 : memref<!tpu.dma_semaphore, #tpu.memory_space<semaphore_mem>>)
      %dma_wait3A = arith.constant 0 : i32
      %dma_wait3A_24 = tpu.memref_slice %arg6[%run_scoped3A_10, %arg0, %mul3A_0, %dma_wait3A] : memref<3x2x10112x64xf32, #tpu.memory_space<hbm>> -> memref<1x1x632x64xf32, #tpu.memory_space<hbm>>
      %dma_wait3A_25 = tpu.memref_squeeze %dma_wait3A_24 : memref<1x1x632x64xf32, #tpu.memory_space<hbm>> -> memref<632x64xf32, #tpu.memory_space<hbm>>
      %dma_wait3A_26 = arith.constant 0 : i32
      %dma_wait3A_27 = tpu.memref_slice %arg10[%mul3A_0, %dma_wait3A_26] : memref<10112x64xf32, #tpu.memory_space<vmem_shared>> -> memref<632x64xf32, #tpu.memory_space<vmem_shared>>
      tpu.wait_dma2 semaphore(%run_scoped3A_19 : memref<!tpu.dma_semaphore, #tpu.memory_space<semaphore_mem>>) src(%dma_wait3A_27 : memref<632x64xf32, #tpu.memory_space<vmem_shared>>) dst(%dma_wait3A_25 : memref<632x64xf32, #tpu.memory_space<hbm>>)
      tpu.yield
    }) : () -> ()
    "tpu.region"() ({
      %run_scoped3A_19 = tpu.sem_alloc : memref<!tpu.dma_semaphore, #tpu.memory_space<semaphore_mem>>
      %dma_start3A = arith.constant 0 : i32
      %dma_start3A_20 = tpu.memref_slice %arg10[%mul3A_0, %dma_start3A] : memref<10112x64xf32, #tpu.memory_space<vmem_shared>> -> memref<632x64xf32, #tpu.memory_space<vmem_shared>>
      %dma_start3A_21 = arith.constant 0 : i32
      %dma_start3A_22 = tpu.memref_slice %arg5[%mul3A_0, %dma_start3A_21] : memref<10112x64xf32, #tpu.memory_space<hbm>> -> memref<632x64xf32, #tpu.memory_space<hbm>>
      tpu.enqueue_dma source(%dma_start3A_22 : memref<632x64xf32, #tpu.memory_space<hbm>>) target(%dma_start3A_20 : memref<632x64xf32, #tpu.memory_space<vmem_shared>>) target_semaphore(%run_scoped3A_19 : memref<!tpu.dma_semaphore, #tpu.memory_space<semaphore_mem>>)
      %dma_wait3A = arith.constant 0 : i32
      %dma_wait3A_23 = tpu.memref_slice %arg10[%mul3A_0, %dma_wait3A] : memref<10112x64xf32, #tpu.memory_space<vmem_shared>> -> memref<632x64xf32, #tpu.memory_space<vmem_shared>>
      %dma_wait3A_24 = arith.constant 0 : i32
      %dma_wait3A_25 = tpu.memref_slice %arg5[%mul3A_0, %dma_wait3A_24] : memref<10112x64xf32, #tpu.memory_space<hbm>> -> memref<632x64xf32, #tpu.memory_space<hbm>>
      tpu.wait_dma2 semaphore(%run_scoped3A_19 : memref<!tpu.dma_semaphore, #tpu.memory_space<semaphore_mem>>) src(%dma_wait3A_25 : memref<632x64xf32, #tpu.memory_space<hbm>>) dst(%dma_wait3A_23 : memref<632x64xf32, #tpu.memory_space<vmem_shared>>)
      tpu.yield
    }) : () -> ()
    %barrier3A_11 = arith.constant 0 : index
    tpu.barrier barrier_id(%barrier3A_11)
    %parallel_loop3A_12 = arith.constant 0 : i32
    %parallel_loop3A_13 = arith.constant 157 : i32
    %parallel_loop3A_14 = arith.constant 1 : i32
    %parallel_loop3A_15 = arith.constant 1 : i32
    scf.for %parallel_loop3A_19 = %parallel_loop3A_12 to %parallel_loop3A_13 step %parallel_loop3A_14  : i32 {
      %parallel_loop3A_20 = arith.constant 0 : i32
      %parallel_loop3A_21 = tpu.memref_slice %arg7[%parallel_loop3A_19, %parallel_loop3A_20] : memref<157x128xi32, #tpu.memory_space<vmem>> -> memref<1x128xi32, #tpu.memory_space<vmem>>
      %parallel_loop3A_22 = tpu.memref_squeeze %parallel_loop3A_21 : memref<1x128xi32, #tpu.memory_space<vmem>> -> memref<128xi32, #tpu.memory_space<vmem>>
      %parallel_loop3A_23 = arith.constant 0 : i32
      %parallel_loop3A_24 = arith.constant 0 : i32
      %parallel_loop3A_25 = tpu.memref_slice %arg6[%parallel_loop3A_15, %arg0, %parallel_loop3A_23, %parallel_loop3A_24] : memref<3x2x10112x64xf32, #tpu.memory_space<hbm>> -> memref<1x1x10112x64xf32, #tpu.memory_space<hbm>>
      %parallel_loop3A_26 = tpu.memref_squeeze %parallel_loop3A_25 : memref<1x1x10112x64xf32, #tpu.memory_space<hbm>> -> memref<10112x64xf32, #tpu.memory_space<hbm>>
      %parallel_loop3A_27 = arith.constant 0 : i32
      %parallel_loop3A_28 = arith.constant 0 : i32
      %parallel_loop3A_29 = tpu.memref_slice %parallel_loop3A_26[%parallel_loop3A_27, %parallel_loop3A_28] : memref<10112x64xf32, #tpu.memory_space<hbm>> -> memref<10112x64xf32, #tpu.memory_space<hbm>>
      tpu.enqueue_indirect_dma source(%parallel_loop3A_29 : memref<10112x64xf32, #tpu.memory_space<hbm>>) target(%arg9 : memref<128x64xf32, #tpu.memory_space<vmem>>) offsets(%parallel_loop3A_22 : memref<128xi32, #tpu.memory_space<vmem>>) semaphore(%arg11 : memref<!tpu.dma_semaphore, #tpu.memory_space<semaphore_mem>>)
      %parallel_loop3A_30 = arith.constant 0 : i32
      %parallel_loop3A_31 = tpu.memref_slice %arg7[%parallel_loop3A_19, %parallel_loop3A_30] : memref<157x128xi32, #tpu.memory_space<vmem>> -> memref<1x128xi32, #tpu.memory_space<vmem>>
      %parallel_loop3A_32 = tpu.memref_squeeze %parallel_loop3A_31 : memref<1x128xi32, #tpu.memory_space<vmem>> -> memref<128xi32, #tpu.memory_space<vmem>>
      %parallel_loop3A_33 = arith.constant 0 : i32
      %parallel_loop3A_34 = arith.constant 0 : i32
      %parallel_loop3A_35 = tpu.memref_slice %arg6[%parallel_loop3A_15, %arg0, %parallel_loop3A_33, %parallel_loop3A_34] : memref<3x2x10112x64xf32, #tpu.memory_space<hbm>> -> memref<1x1x10112x64xf32, #tpu.memory_space<hbm>>
      %parallel_loop3A_36 = tpu.memref_squeeze %parallel_loop3A_35 : memref<1x1x10112x64xf32, #tpu.memory_space<hbm>> -> memref<10112x64xf32, #tpu.memory_space<hbm>>
      %parallel_loop3A_37 = arith.constant 0 : i32
      %parallel_loop3A_38 = arith.constant 0 : i32
      %parallel_loop3A_39 = tpu.memref_slice %parallel_loop3A_36[%parallel_loop3A_37, %parallel_loop3A_38] : memref<10112x64xf32, #tpu.memory_space<hbm>> -> memref<10112x64xf32, #tpu.memory_space<hbm>>
      tpu.wait_indirect_dma semaphore(%arg11 : memref<!tpu.dma_semaphore, #tpu.memory_space<semaphore_mem>>) src(%parallel_loop3A_39 : memref<10112x64xf32, #tpu.memory_space<hbm>>) dst(%arg9 : memref<128x64xf32, #tpu.memory_space<vmem>>)
      "tpu.region"() ({
        %parallel_loop3A_40 = tpu.sem_alloc : memref<!tpu.dma_semaphore, #tpu.memory_space<semaphore_mem>>
        %parallel_loop3A_41 = arith.constant 0 : i32
        %parallel_loop3A_42 = tpu.memref_slice %arg8[%parallel_loop3A_19, %parallel_loop3A_41] : memref<157x128xi32, #tpu.memory_space<vmem>> -> memref<1x128xi32, #tpu.memory_space<vmem>>
        %parallel_loop3A_43 = tpu.memref_squeeze %parallel_loop3A_42 : memref<1x128xi32, #tpu.memory_space<vmem>> -> memref<128xi32, #tpu.memory_space<vmem>>
        %parallel_loop3A_44 = arith.constant 0 : i32
        %parallel_loop3A_45 = arith.constant 0 : i32
        %parallel_loop3A_46 = tpu.memref_slice %arg10[%parallel_loop3A_44, %parallel_loop3A_45] : memref<10112x64xf32, #tpu.memory_space<vmem_shared>> -> memref<10112x64xf32, #tpu.memory_space<vmem_shared>>
        tpu.enqueue_indirect_dma source(%arg9 : memref<128x64xf32, #tpu.memory_space<vmem>>) target(%parallel_loop3A_46 : memref<10112x64xf32, #tpu.memory_space<vmem_shared>>) offsets(%parallel_loop3A_43 : memref<128xi32, #tpu.memory_space<vmem>>) semaphore(%parallel_loop3A_40 : memref<!tpu.dma_semaphore, #tpu.memory_space<semaphore_mem>>) {add = true}
        %parallel_loop3A_47 = arith.constant 0 : i32
        %parallel_loop3A_48 = tpu.memref_slice %arg8[%parallel_loop3A_19, %parallel_loop3A_47] : memref<157x128xi32, #tpu.memory_space<vmem>> -> memref<1x128xi32, #tpu.memory_space<vmem>>
        %parallel_loop3A_49 = tpu.memref_squeeze %parallel_loop3A_48 : memref<1x128xi32, #tpu.memory_space<vmem>> -> memref<128xi32, #tpu.memory_space<vmem>>
        %parallel_loop3A_50 = arith.constant 0 : i32
        %parallel_loop3A_51 = arith.constant 0 : i32
        %parallel_loop3A_52 = tpu.memref_slice %arg10[%parallel_loop3A_50, %parallel_loop3A_51] : memref<10112x64xf32, #tpu.memory_space<vmem_shared>> -> memref<10112x64xf32, #tpu.memory_space<vmem_shared>>
        tpu.wait_indirect_dma semaphore(%parallel_loop3A_40 : memref<!tpu.dma_semaphore, #tpu.memory_space<semaphore_mem>>) src(%arg9 : memref<128x64xf32, #tpu.memory_space<vmem>>) dst(%parallel_loop3A_52 : memref<10112x64xf32, #tpu.memory_space<vmem_shared>>)
        tpu.yield
      }) : () -> ()
    } {sc.loop_unroll_factor = 4 : i64, sc.parallel_access}
    %barrier3A_16 = arith.constant 0 : index
    tpu.barrier barrier_id(%barrier3A_16)
    %run_scoped3A_17 = arith.constant 2 : i32
    "tpu.region"() ({
      %run_scoped3A_19 = tpu.sem_alloc : memref<!tpu.dma_semaphore, #tpu.memory_space<semaphore_mem>>
      %dma_start3A = arith.constant 0 : i32
      %dma_start3A_20 = tpu.memref_slice %arg6[%run_scoped3A_17, %arg0, %mul3A_0, %dma_start3A] : memref<3x2x10112x64xf32, #tpu.memory_space<hbm>> -> memref<1x1x632x64xf32, #tpu.memory_space<hbm>>
      %dma_start3A_21 = tpu.memref_squeeze %dma_start3A_20 : memref<1x1x632x64xf32, #tpu.memory_space<hbm>> -> memref<632x64xf32, #tpu.memory_space<hbm>>
      %dma_start3A_22 = arith.constant 0 : i32
      %dma_start3A_23 = tpu.memref_slice %arg10[%mul3A_0, %dma_start3A_22] : memref<10112x64xf32, #tpu.memory_space<vmem_shared>> -> memref<632x64xf32, #tpu.memory_space<vmem_shared>>
      tpu.enqueue_dma source(%dma_start3A_23 : memref<632x64xf32, #tpu.memory_space<vmem_shared>>) target(%dma_start3A_21 : memref<632x64xf32, #tpu.memory_space<hbm>>) target_semaphore(%run_scoped3A_19 : memref<!tpu.dma_semaphore, #tpu.memory_space<semaphore_mem>>)
      %dma_wait3A = arith.constant 0 : i32
      %dma_wait3A_24 = tpu.memref_slice %arg6[%run_scoped3A_17, %arg0, %mul3A_0, %dma_wait3A] : memref<3x2x10112x64xf32, #tpu.memory_space<hbm>> -> memref<1x1x632x64xf32, #tpu.memory_space<hbm>>
      %dma_wait3A_25 = tpu.memref_squeeze %dma_wait3A_24 : memref<1x1x632x64xf32, #tpu.memory_space<hbm>> -> memref<632x64xf32, #tpu.memory_space<hbm>>
      %dma_wait3A_26 = arith.constant 0 : i32
      %dma_wait3A_27 = tpu.memref_slice %arg10[%mul3A_0, %dma_wait3A_26] : memref<10112x64xf32, #tpu.memory_space<vmem_shared>> -> memref<632x64xf32, #tpu.memory_space<vmem_shared>>
      tpu.wait_dma2 semaphore(%run_scoped3A_19 : memref<!tpu.dma_semaphore, #tpu.memory_space<semaphore_mem>>) src(%dma_wait3A_27 : memref<632x64xf32, #tpu.memory_space<vmem_shared>>) dst(%dma_wait3A_25 : memref<632x64xf32, #tpu.memory_space<hbm>>)
      tpu.yield
    }) : () -> ()
    %barrier3A_18 = arith.constant 0 : index
    tpu.barrier barrier_id(%barrier3A_18)
    return
  }
}

module attributes {stable_mosaic.version = 14 : i64} {
  func.func @_gru_body(%arg0: i32, %arg1: memref<3x2x2000x64xf32, #tpu.memory_space<vmem>>, %arg2: memref<2x2000x64xf32, #tpu.memory_space<vmem>>, %arg3: memref<384x64xf32, #tpu.memory_space<vmem>>, %arg4: memref<384x64xf32, #tpu.memory_space<vmem>>, %arg5: memref<384x128xf32, #tpu.memory_space<vmem>>, %arg6: memref<1x384xf32, #tpu.memory_space<vmem>>, %arg7: memref<1x384xf32, #tpu.memory_space<vmem>>, %arg8: memref<2000x128xf32, #tpu.memory_space<vmem>>) attributes {dimension_semantics = [#tpu.dimension_semantics<arbitrary>], iteration_bounds = array<i64: 5>, scalar_prefetch = 0 : i64, scratch_operands = 0 : i64, tpu.core_type = #tpu.core_type<tc>, window_params = [{transform_indices = @transform_0, window_bounds = array<i64: 3, 2, 2000, 64>}, {transform_indices = @transform_1, window_bounds = array<i64: 2, 2000, 64>}, {pipeline_mode = #tpu.pipeline_mode<synchronous>, transform_indices = @transform_2, window_bounds = array<i64: 384, 64>}, {pipeline_mode = #tpu.pipeline_mode<synchronous>, transform_indices = @transform_3, window_bounds = array<i64: 384, 64>}, {pipeline_mode = #tpu.pipeline_mode<synchronous>, transform_indices = @transform_4, window_bounds = array<i64: 384, 128>}, {pipeline_mode = #tpu.pipeline_mode<synchronous>, transform_indices = @transform_5, window_bounds = array<i64: 1, 384>}, {pipeline_mode = #tpu.pipeline_mode<synchronous>, transform_indices = @transform_6, window_bounds = array<i64: 1, 384>}, {transform_indices = @transform_7, window_bounds = array<i64: 2000, 128>}]} {
    %get3A = arith.constant 0 : index
    %get3A_0 = arith.constant 0 : index
    %get3A_1 = vector.load %arg3[%get3A, %get3A_0] : memref<384x64xf32, #tpu.memory_space<vmem>>, vector<384x64xf32>
    %get3A_2 = arith.constant 0 : index
    %get3A_3 = arith.constant 0 : index
    %get3A_4 = vector.load %arg4[%get3A_2, %get3A_3] : memref<384x64xf32, #tpu.memory_space<vmem>>, vector<384x64xf32>
    %get3A_5 = arith.constant 0 : index
    %get3A_6 = arith.constant 0 : index
    %get3A_7 = vector.load %arg5[%get3A_5, %get3A_6] : memref<384x128xf32, #tpu.memory_space<vmem>>, vector<384x128xf32>
    %get3A_8 = arith.constant 0 : index
    %get3A_9 = arith.constant 0 : index
    %get3A_10 = vector.load %arg6[%get3A_8, %get3A_9] : memref<1x384xf32, #tpu.memory_space<vmem>>, vector<1x384xf32>
    %get3A_11 = arith.constant 0 : index
    %get3A_12 = arith.constant 0 : index
    %get3A_13 = vector.load %arg7[%get3A_11, %get3A_12] : memref<1x384xf32, #tpu.memory_space<vmem>>, vector<1x384xf32>
    %broadcast_in_dim3A = arith.constant 0.000000e+00 : f32
    %broadcast_in_dim3A_14 = vector.broadcast %broadcast_in_dim3A : f32 to vector<2000x128xf32>
    %get3A_15 = arith.constant 2 : index
    %get3A_16 = arith.constant 0 : index
    %get3A_17 = arith.constant 0 : index
    %get3A_18 = arith.constant 0 : index
    %get3A_19 = vector.load %arg1[%get3A_15, %get3A_16, %get3A_17, %get3A_18] : memref<3x2x2000x64xf32, #tpu.memory_space<vmem>>, vector<1x1x2000x64xf32>
    %get3A_20 = vector.shape_cast %get3A_19 : vector<1x1x2000x64xf32> to vector<2000x64xf32>
    %get3A_21 = arith.constant 2 : index
    %get3A_22 = arith.constant 1 : index
    %get3A_23 = arith.constant 0 : index
    %get3A_24 = arith.constant 0 : index
    %get3A_25 = vector.load %arg1[%get3A_21, %get3A_22, %get3A_23, %get3A_24] : memref<3x2x2000x64xf32, #tpu.memory_space<vmem>>, vector<1x1x2000x64xf32>
    %get3A_26 = vector.shape_cast %get3A_25 : vector<1x1x2000x64xf32> to vector<2000x64xf32>
    %get3A_27 = arith.constant 1 : index
    %get3A_28 = arith.constant 0 : index
    %get3A_29 = arith.constant 0 : index
    %get3A_30 = arith.constant 0 : index
    %get3A_31 = vector.load %arg1[%get3A_27, %get3A_28, %get3A_29, %get3A_30] : memref<3x2x2000x64xf32, #tpu.memory_space<vmem>>, vector<1x1x2000x64xf32>
    %get3A_32 = vector.shape_cast %get3A_31 : vector<1x1x2000x64xf32> to vector<2000x64xf32>
    %get3A_33 = arith.constant 1 : index
    %get3A_34 = arith.constant 1 : index
    %get3A_35 = arith.constant 0 : index
    %get3A_36 = arith.constant 0 : index
    %get3A_37 = vector.load %arg1[%get3A_33, %get3A_34, %get3A_35, %get3A_36] : memref<3x2x2000x64xf32, #tpu.memory_space<vmem>>, vector<1x1x2000x64xf32>
    %get3A_38 = vector.shape_cast %get3A_37 : vector<1x1x2000x64xf32> to vector<2000x64xf32>
    %get3A_39 = arith.constant 0 : index
    %get3A_40 = arith.constant 0 : index
    %get3A_41 = arith.constant 0 : index
    %get3A_42 = arith.constant 0 : index
    %get3A_43 = vector.load %arg1[%get3A_39, %get3A_40, %get3A_41, %get3A_42] : memref<3x2x2000x64xf32, #tpu.memory_space<vmem>>, vector<1x1x2000x64xf32>
    %get3A_44 = vector.shape_cast %get3A_43 : vector<1x1x2000x64xf32> to vector<2000x64xf32>
    %get3A_45 = arith.constant 0 : index
    %get3A_46 = arith.constant 1 : index
    %get3A_47 = arith.constant 0 : index
    %get3A_48 = arith.constant 0 : index
    %get3A_49 = vector.load %arg1[%get3A_45, %get3A_46, %get3A_47, %get3A_48] : memref<3x2x2000x64xf32, #tpu.memory_space<vmem>>, vector<1x1x2000x64xf32>
    %get3A_50 = vector.shape_cast %get3A_49 : vector<1x1x2000x64xf32> to vector<2000x64xf32>
    %get3A_51 = arith.constant 0 : index
    %get3A_52 = arith.constant 0 : index
    %get3A_53 = arith.constant 0 : index
    %get3A_54 = vector.load %arg2[%get3A_51, %get3A_52, %get3A_53] : memref<2x2000x64xf32, #tpu.memory_space<vmem>>, vector<1x2000x64xf32>
    %get3A_55 = vector.shape_cast %get3A_54 : vector<1x2000x64xf32> to vector<2000x64xf32>
    %get3A_56 = arith.constant 1 : index
    %get3A_57 = arith.constant 0 : index
    %get3A_58 = arith.constant 0 : index
    %get3A_59 = vector.load %arg2[%get3A_56, %get3A_57, %get3A_58] : memref<2x2000x64xf32, #tpu.memory_space<vmem>>, vector<1x2000x64xf32>
    %get3A_60 = vector.shape_cast %get3A_59 : vector<1x2000x64xf32> to vector<2000x64xf32>
    %dot_general3A = arith.constant dense<0.000000e+00> : vector<2000x384xf32>
    %dot_general3A_61 = tpu.matmul %get3A_20, %get3A_1, %dot_general3A {dimension_numbers = #tpu.dot_dimension_numbers<[1], [1], [0], [0], [0, 0, 1, 0], [], []>, transpose_lhs_hint = false} : vector<2000x64xf32>, vector<384x64xf32>, vector<2000x384xf32> -> vector<2000x384xf32>
    %dot_general3A_62 = arith.constant dense<0.000000e+00> : vector<2000x384xf32>
    %dot_general3A_63 = tpu.matmul %get3A_26, %get3A_4, %dot_general3A_62 {dimension_numbers = #tpu.dot_dimension_numbers<[1], [1], [0], [0], [0, 0, 1, 0], [], []>, transpose_lhs_hint = false} : vector<2000x64xf32>, vector<384x64xf32>, vector<2000x384xf32> -> vector<2000x384xf32>
    %add3A = arith.addf %dot_general3A_61, %dot_general3A_63 : vector<2000x384xf32>
    %add3A_64 = vector.broadcast %get3A_10 : vector<1x384xf32> to vector<2000x384xf32>
    %add3A_65 = arith.addf %add3A, %add3A_64 : vector<2000x384xf32>
    %dot_general3A_66 = arith.constant dense<0.000000e+00> : vector<2000x384xf32>
    %dot_general3A_67 = tpu.matmul %broadcast_in_dim3A_14, %get3A_7, %dot_general3A_66 {dimension_numbers = #tpu.dot_dimension_numbers<[1], [1], [0], [0], [0, 0, 1, 0], [], []>, transpose_lhs_hint = false} : vector<2000x128xf32>, vector<384x128xf32>, vector<2000x384xf32> -> vector<2000x384xf32>
    %add3A_68 = vector.broadcast %get3A_13 : vector<1x384xf32> to vector<2000x384xf32>
    %add3A_69 = arith.addf %dot_general3A_67, %add3A_68 : vector<2000x384xf32>
    %slice3A = vector.extract_strided_slice %add3A_65 {offsets = [0, 0], sizes = [2000, 128], strides = [1, 1]} : vector<2000x384xf32> to vector<2000x128xf32>
    %slice3A_70 = vector.extract_strided_slice %add3A_69 {offsets = [0, 0], sizes = [2000, 128], strides = [1, 1]} : vector<2000x384xf32> to vector<2000x128xf32>
    %add3A_71 = arith.addf %slice3A, %slice3A_70 : vector<2000x128xf32>
    %logistic3A = arith.negf %add3A_71 : vector<2000x128xf32>
    %logistic3A_72 = math.exp %logistic3A : vector<2000x128xf32>
    %logistic3A_73 = arith.constant 1.000000e+00 : f32
    %logistic3A_74 = vector.broadcast %logistic3A_73 : f32 to vector<2000x128xf32>
    %logistic3A_75 = arith.addf %logistic3A_74, %logistic3A_72 : vector<2000x128xf32>
    %logistic3A_76 = arith.divf %logistic3A_74, %logistic3A_75 : vector<2000x128xf32>
    %slice3A_77 = vector.extract_strided_slice %add3A_65 {offsets = [0, 128], sizes = [2000, 128], strides = [1, 1]} : vector<2000x384xf32> to vector<2000x128xf32>
    %slice3A_78 = vector.extract_strided_slice %add3A_69 {offsets = [0, 128], sizes = [2000, 128], strides = [1, 1]} : vector<2000x384xf32> to vector<2000x128xf32>
    %add3A_79 = arith.addf %slice3A_77, %slice3A_78 : vector<2000x128xf32>
    %logistic3A_80 = arith.negf %add3A_79 : vector<2000x128xf32>
    %logistic3A_81 = math.exp %logistic3A_80 : vector<2000x128xf32>
    %logistic3A_82 = arith.constant 1.000000e+00 : f32
    %logistic3A_83 = vector.broadcast %logistic3A_82 : f32 to vector<2000x128xf32>
    %logistic3A_84 = arith.addf %logistic3A_83, %logistic3A_81 : vector<2000x128xf32>
    %logistic3A_85 = arith.divf %logistic3A_83, %logistic3A_84 : vector<2000x128xf32>
    %slice3A_86 = vector.extract_strided_slice %add3A_65 {offsets = [0, 256], sizes = [2000, 128], strides = [1, 1]} : vector<2000x384xf32> to vector<2000x128xf32>
    %slice3A_87 = vector.extract_strided_slice %add3A_69 {offsets = [0, 256], sizes = [2000, 128], strides = [1, 1]} : vector<2000x384xf32> to vector<2000x128xf32>
    %mul3A = arith.mulf %logistic3A_76, %slice3A_87 : vector<2000x128xf32>
    %add3A_88 = arith.addf %slice3A_86, %mul3A : vector<2000x128xf32>
    %tanh3A = math.tanh %add3A_88 : vector<2000x128xf32>
    %sub3A = arith.constant 1.000000e+00 : f32
    %sub3A_89 = vector.broadcast %sub3A : f32 to vector<2000x128xf32>
    %sub3A_90 = arith.subf %sub3A_89, %logistic3A_85 : vector<2000x128xf32>
    %mul3A_91 = arith.mulf %sub3A_90, %tanh3A : vector<2000x128xf32>
    %mul3A_92 = arith.mulf %logistic3A_85, %broadcast_in_dim3A_14 : vector<2000x128xf32>
    %add3A_93 = arith.addf %mul3A_91, %mul3A_92 : vector<2000x128xf32>
    %dot_general3A_94 = arith.constant dense<0.000000e+00> : vector<2000x384xf32>
    %dot_general3A_95 = tpu.matmul %get3A_32, %get3A_1, %dot_general3A_94 {dimension_numbers = #tpu.dot_dimension_numbers<[1], [1], [0], [0], [0, 0, 1, 0], [], []>, transpose_lhs_hint = false} : vector<2000x64xf32>, vector<384x64xf32>, vector<2000x384xf32> -> vector<2000x384xf32>
    %dot_general3A_96 = arith.constant dense<0.000000e+00> : vector<2000x384xf32>
    %dot_general3A_97 = tpu.matmul %get3A_38, %get3A_4, %dot_general3A_96 {dimension_numbers = #tpu.dot_dimension_numbers<[1], [1], [0], [0], [0, 0, 1, 0], [], []>, transpose_lhs_hint = false} : vector<2000x64xf32>, vector<384x64xf32>, vector<2000x384xf32> -> vector<2000x384xf32>
    %add3A_98 = arith.addf %dot_general3A_95, %dot_general3A_97 : vector<2000x384xf32>
    %add3A_99 = vector.broadcast %get3A_10 : vector<1x384xf32> to vector<2000x384xf32>
    %add3A_100 = arith.addf %add3A_98, %add3A_99 : vector<2000x384xf32>
    %dot_general3A_101 = arith.constant dense<0.000000e+00> : vector<2000x384xf32>
    %dot_general3A_102 = tpu.matmul %add3A_93, %get3A_7, %dot_general3A_101 {dimension_numbers = #tpu.dot_dimension_numbers<[1], [1], [0], [0], [0, 0, 1, 0], [], []>, transpose_lhs_hint = false} : vector<2000x128xf32>, vector<384x128xf32>, vector<2000x384xf32> -> vector<2000x384xf32>
    %add3A_103 = vector.broadcast %get3A_13 : vector<1x384xf32> to vector<2000x384xf32>
    %add3A_104 = arith.addf %dot_general3A_102, %add3A_103 : vector<2000x384xf32>
    %slice3A_105 = vector.extract_strided_slice %add3A_100 {offsets = [0, 0], sizes = [2000, 128], strides = [1, 1]} : vector<2000x384xf32> to vector<2000x128xf32>
    %slice3A_106 = vector.extract_strided_slice %add3A_104 {offsets = [0, 0], sizes = [2000, 128], strides = [1, 1]} : vector<2000x384xf32> to vector<2000x128xf32>
    %add3A_107 = arith.addf %slice3A_105, %slice3A_106 : vector<2000x128xf32>
    %logistic3A_108 = arith.negf %add3A_107 : vector<2000x128xf32>
    %logistic3A_109 = math.exp %logistic3A_108 : vector<2000x128xf32>
    %logistic3A_110 = arith.constant 1.000000e+00 : f32
    %logistic3A_111 = vector.broadcast %logistic3A_110 : f32 to vector<2000x128xf32>
    %logistic3A_112 = arith.addf %logistic3A_111, %logistic3A_109 : vector<2000x128xf32>
    %logistic3A_113 = arith.divf %logistic3A_111, %logistic3A_112 : vector<2000x128xf32>
    %slice3A_114 = vector.extract_strided_slice %add3A_100 {offsets = [0, 128], sizes = [2000, 128], strides = [1, 1]} : vector<2000x384xf32> to vector<2000x128xf32>
    %slice3A_115 = vector.extract_strided_slice %add3A_104 {offsets = [0, 128], sizes = [2000, 128], strides = [1, 1]} : vector<2000x384xf32> to vector<2000x128xf32>
    %add3A_116 = arith.addf %slice3A_114, %slice3A_115 : vector<2000x128xf32>
    %logistic3A_117 = arith.negf %add3A_116 : vector<2000x128xf32>
    %logistic3A_118 = math.exp %logistic3A_117 : vector<2000x128xf32>
    %logistic3A_119 = arith.constant 1.000000e+00 : f32
    %logistic3A_120 = vector.broadcast %logistic3A_119 : f32 to vector<2000x128xf32>
    %logistic3A_121 = arith.addf %logistic3A_120, %logistic3A_118 : vector<2000x128xf32>
    %logistic3A_122 = arith.divf %logistic3A_120, %logistic3A_121 : vector<2000x128xf32>
    %slice3A_123 = vector.extract_strided_slice %add3A_100 {offsets = [0, 256], sizes = [2000, 128], strides = [1, 1]} : vector<2000x384xf32> to vector<2000x128xf32>
    %slice3A_124 = vector.extract_strided_slice %add3A_104 {offsets = [0, 256], sizes = [2000, 128], strides = [1, 1]} : vector<2000x384xf32> to vector<2000x128xf32>
    %mul3A_125 = arith.mulf %logistic3A_113, %slice3A_124 : vector<2000x128xf32>
    %add3A_126 = arith.addf %slice3A_123, %mul3A_125 : vector<2000x128xf32>
    %tanh3A_127 = math.tanh %add3A_126 : vector<2000x128xf32>
    %sub3A_128 = arith.constant 1.000000e+00 : f32
    %sub3A_129 = vector.broadcast %sub3A_128 : f32 to vector<2000x128xf32>
    %sub3A_130 = arith.subf %sub3A_129, %logistic3A_122 : vector<2000x128xf32>
    %mul3A_131 = arith.mulf %sub3A_130, %tanh3A_127 : vector<2000x128xf32>
    %mul3A_132 = arith.mulf %logistic3A_122, %add3A_93 : vector<2000x128xf32>
    %add3A_133 = arith.addf %mul3A_131, %mul3A_132 : vector<2000x128xf32>
    %dot_general3A_134 = arith.constant dense<0.000000e+00> : vector<2000x384xf32>
    %dot_general3A_135 = tpu.matmul %get3A_44, %get3A_1, %dot_general3A_134 {dimension_numbers = #tpu.dot_dimension_numbers<[1], [1], [0], [0], [0, 0, 1, 0], [], []>, transpose_lhs_hint = false} : vector<2000x64xf32>, vector<384x64xf32>, vector<2000x384xf32> -> vector<2000x384xf32>
    %dot_general3A_136 = arith.constant dense<0.000000e+00> : vector<2000x384xf32>
    %dot_general3A_137 = tpu.matmul %get3A_50, %get3A_4, %dot_general3A_136 {dimension_numbers = #tpu.dot_dimension_numbers<[1], [1], [0], [0], [0, 0, 1, 0], [], []>, transpose_lhs_hint = false} : vector<2000x64xf32>, vector<384x64xf32>, vector<2000x384xf32> -> vector<2000x384xf32>
    %add3A_138 = arith.addf %dot_general3A_135, %dot_general3A_137 : vector<2000x384xf32>
    %add3A_139 = vector.broadcast %get3A_10 : vector<1x384xf32> to vector<2000x384xf32>
    %add3A_140 = arith.addf %add3A_138, %add3A_139 : vector<2000x384xf32>
    %dot_general3A_141 = arith.constant dense<0.000000e+00> : vector<2000x384xf32>
    %dot_general3A_142 = tpu.matmul %add3A_133, %get3A_7, %dot_general3A_141 {dimension_numbers = #tpu.dot_dimension_numbers<[1], [1], [0], [0], [0, 0, 1, 0], [], []>, transpose_lhs_hint = false} : vector<2000x128xf32>, vector<384x128xf32>, vector<2000x384xf32> -> vector<2000x384xf32>
    %add3A_143 = vector.broadcast %get3A_13 : vector<1x384xf32> to vector<2000x384xf32>
    %add3A_144 = arith.addf %dot_general3A_142, %add3A_143 : vector<2000x384xf32>
    %slice3A_145 = vector.extract_strided_slice %add3A_140 {offsets = [0, 0], sizes = [2000, 128], strides = [1, 1]} : vector<2000x384xf32> to vector<2000x128xf32>
    %slice3A_146 = vector.extract_strided_slice %add3A_144 {offsets = [0, 0], sizes = [2000, 128], strides = [1, 1]} : vector<2000x384xf32> to vector<2000x128xf32>
    %add3A_147 = arith.addf %slice3A_145, %slice3A_146 : vector<2000x128xf32>
    %logistic3A_148 = arith.negf %add3A_147 : vector<2000x128xf32>
    %logistic3A_149 = math.exp %logistic3A_148 : vector<2000x128xf32>
    %logistic3A_150 = arith.constant 1.000000e+00 : f32
    %logistic3A_151 = vector.broadcast %logistic3A_150 : f32 to vector<2000x128xf32>
    %logistic3A_152 = arith.addf %logistic3A_151, %logistic3A_149 : vector<2000x128xf32>
    %logistic3A_153 = arith.divf %logistic3A_151, %logistic3A_152 : vector<2000x128xf32>
    %slice3A_154 = vector.extract_strided_slice %add3A_140 {offsets = [0, 128], sizes = [2000, 128], strides = [1, 1]} : vector<2000x384xf32> to vector<2000x128xf32>
    %slice3A_155 = vector.extract_strided_slice %add3A_144 {offsets = [0, 128], sizes = [2000, 128], strides = [1, 1]} : vector<2000x384xf32> to vector<2000x128xf32>
    %add3A_156 = arith.addf %slice3A_154, %slice3A_155 : vector<2000x128xf32>
    %logistic3A_157 = arith.negf %add3A_156 : vector<2000x128xf32>
    %logistic3A_158 = math.exp %logistic3A_157 : vector<2000x128xf32>
    %logistic3A_159 = arith.constant 1.000000e+00 : f32
    %logistic3A_160 = vector.broadcast %logistic3A_159 : f32 to vector<2000x128xf32>
    %logistic3A_161 = arith.addf %logistic3A_160, %logistic3A_158 : vector<2000x128xf32>
    %logistic3A_162 = arith.divf %logistic3A_160, %logistic3A_161 : vector<2000x128xf32>
    %slice3A_163 = vector.extract_strided_slice %add3A_140 {offsets = [0, 256], sizes = [2000, 128], strides = [1, 1]} : vector<2000x384xf32> to vector<2000x128xf32>
    %slice3A_164 = vector.extract_strided_slice %add3A_144 {offsets = [0, 256], sizes = [2000, 128], strides = [1, 1]} : vector<2000x384xf32> to vector<2000x128xf32>
    %mul3A_165 = arith.mulf %logistic3A_153, %slice3A_164 : vector<2000x128xf32>
    %add3A_166 = arith.addf %slice3A_163, %mul3A_165 : vector<2000x128xf32>
    %tanh3A_167 = math.tanh %add3A_166 : vector<2000x128xf32>
    %sub3A_168 = arith.constant 1.000000e+00 : f32
    %sub3A_169 = vector.broadcast %sub3A_168 : f32 to vector<2000x128xf32>
    %sub3A_170 = arith.subf %sub3A_169, %logistic3A_162 : vector<2000x128xf32>
    %mul3A_171 = arith.mulf %sub3A_170, %tanh3A_167 : vector<2000x128xf32>
    %mul3A_172 = arith.mulf %logistic3A_162, %add3A_133 : vector<2000x128xf32>
    %add3A_173 = arith.addf %mul3A_171, %mul3A_172 : vector<2000x128xf32>
    %dot_general3A_174 = arith.constant dense<0.000000e+00> : vector<2000x384xf32>
    %dot_general3A_175 = tpu.matmul %get3A_55, %get3A_1, %dot_general3A_174 {dimension_numbers = #tpu.dot_dimension_numbers<[1], [1], [0], [0], [0, 0, 1, 0], [], []>, transpose_lhs_hint = false} : vector<2000x64xf32>, vector<384x64xf32>, vector<2000x384xf32> -> vector<2000x384xf32>
    %dot_general3A_176 = arith.constant dense<0.000000e+00> : vector<2000x384xf32>
    %dot_general3A_177 = tpu.matmul %get3A_60, %get3A_4, %dot_general3A_176 {dimension_numbers = #tpu.dot_dimension_numbers<[1], [1], [0], [0], [0, 0, 1, 0], [], []>, transpose_lhs_hint = false} : vector<2000x64xf32>, vector<384x64xf32>, vector<2000x384xf32> -> vector<2000x384xf32>
    %add3A_178 = arith.addf %dot_general3A_175, %dot_general3A_177 : vector<2000x384xf32>
    %add3A_179 = vector.broadcast %get3A_10 : vector<1x384xf32> to vector<2000x384xf32>
    %add3A_180 = arith.addf %add3A_178, %add3A_179 : vector<2000x384xf32>
    %dot_general3A_181 = arith.constant dense<0.000000e+00> : vector<2000x384xf32>
    %dot_general3A_182 = tpu.matmul %add3A_173, %get3A_7, %dot_general3A_181 {dimension_numbers = #tpu.dot_dimension_numbers<[1], [1], [0], [0], [0, 0, 1, 0], [], []>, transpose_lhs_hint = false} : vector<2000x128xf32>, vector<384x128xf32>, vector<2000x384xf32> -> vector<2000x384xf32>
    %add3A_183 = vector.broadcast %get3A_13 : vector<1x384xf32> to vector<2000x384xf32>
    %add3A_184 = arith.addf %dot_general3A_182, %add3A_183 : vector<2000x384xf32>
    %slice3A_185 = vector.extract_strided_slice %add3A_180 {offsets = [0, 0], sizes = [2000, 128], strides = [1, 1]} : vector<2000x384xf32> to vector<2000x128xf32>
    %slice3A_186 = vector.extract_strided_slice %add3A_184 {offsets = [0, 0], sizes = [2000, 128], strides = [1, 1]} : vector<2000x384xf32> to vector<2000x128xf32>
    %add3A_187 = arith.addf %slice3A_185, %slice3A_186 : vector<2000x128xf32>
    %logistic3A_188 = arith.negf %add3A_187 : vector<2000x128xf32>
    %logistic3A_189 = math.exp %logistic3A_188 : vector<2000x128xf32>
    %logistic3A_190 = arith.constant 1.000000e+00 : f32
    %logistic3A_191 = vector.broadcast %logistic3A_190 : f32 to vector<2000x128xf32>
    %logistic3A_192 = arith.addf %logistic3A_191, %logistic3A_189 : vector<2000x128xf32>
    %logistic3A_193 = arith.divf %logistic3A_191, %logistic3A_192 : vector<2000x128xf32>
    %slice3A_194 = vector.extract_strided_slice %add3A_180 {offsets = [0, 128], sizes = [2000, 128], strides = [1, 1]} : vector<2000x384xf32> to vector<2000x128xf32>
    %slice3A_195 = vector.extract_strided_slice %add3A_184 {offsets = [0, 128], sizes = [2000, 128], strides = [1, 1]} : vector<2000x384xf32> to vector<2000x128xf32>
    %add3A_196 = arith.addf %slice3A_194, %slice3A_195 : vector<2000x128xf32>
    %logistic3A_197 = arith.negf %add3A_196 : vector<2000x128xf32>
    %logistic3A_198 = math.exp %logistic3A_197 : vector<2000x128xf32>
    %logistic3A_199 = arith.constant 1.000000e+00 : f32
    %logistic3A_200 = vector.broadcast %logistic3A_199 : f32 to vector<2000x128xf32>
    %logistic3A_201 = arith.addf %logistic3A_200, %logistic3A_198 : vector<2000x128xf32>
    %logistic3A_202 = arith.divf %logistic3A_200, %logistic3A_201 : vector<2000x128xf32>
    %slice3A_203 = vector.extract_strided_slice %add3A_180 {offsets = [0, 256], sizes = [2000, 128], strides = [1, 1]} : vector<2000x384xf32> to vector<2000x128xf32>
    %slice3A_204 = vector.extract_strided_slice %add3A_184 {offsets = [0, 256], sizes = [2000, 128], strides = [1, 1]} : vector<2000x384xf32> to vector<2000x128xf32>
    %mul3A_205 = arith.mulf %logistic3A_193, %slice3A_204 : vector<2000x128xf32>
    %add3A_206 = arith.addf %slice3A_203, %mul3A_205 : vector<2000x128xf32>
    %tanh3A_207 = math.tanh %add3A_206 : vector<2000x128xf32>
    %sub3A_208 = arith.constant 1.000000e+00 : f32
    %sub3A_209 = vector.broadcast %sub3A_208 : f32 to vector<2000x128xf32>
    %sub3A_210 = arith.subf %sub3A_209, %logistic3A_202 : vector<2000x128xf32>
    %mul3A_211 = arith.mulf %sub3A_210, %tanh3A_207 : vector<2000x128xf32>
    %mul3A_212 = arith.mulf %logistic3A_202, %add3A_173 : vector<2000x128xf32>
    %add3A_213 = arith.addf %mul3A_211, %mul3A_212 : vector<2000x128xf32>
    %swap3A = arith.constant 0 : index
    %swap3A_214 = arith.constant 0 : index
    %swap3A_215 = vector.load %arg8[%swap3A, %swap3A_214] : memref<2000x128xf32, #tpu.memory_space<vmem>>, vector<2000x128xf32>
    tpu.vector_store %arg8[%swap3A, %swap3A_214], %add3A_213 {strides = array<i32>} : memref<2000x128xf32, #tpu.memory_space<vmem>>, vector<2000x128xf32>,
    return
  }
  func.func @transform_0(%arg0: i32) -> (i32, i32, i32, i32) {
    %c0_i32 = arith.constant 0 : i32
    %c0_i32_0 = arith.constant 0 : i32
    %c0_i32_1 = arith.constant 0 : i32
    %c0_i32_2 = arith.constant 0 : i32
    return %c0_i32, %c0_i32_0, %arg0, %c0_i32_1 : i32, i32, i32, i32
  }
  func.func @transform_1(%arg0: i32) -> (i32, i32, i32) {
    %c0_i32 = arith.constant 0 : i32
    %c0_i32_0 = arith.constant 0 : i32
    %c0_i32_1 = arith.constant 0 : i32
    return %c0_i32, %arg0, %c0_i32_0 : i32, i32, i32
  }
  func.func @transform_2(%arg0: i32) -> (i32, i32) {
    %c0_i32 = arith.constant 0 : i32
    %c0_i32_0 = arith.constant 0 : i32
    %c0_i32_1 = arith.constant 0 : i32
    return %c0_i32, %c0_i32_0 : i32, i32
  }
  func.func @transform_3(%arg0: i32) -> (i32, i32) {
    %c0_i32 = arith.constant 0 : i32
    %c0_i32_0 = arith.constant 0 : i32
    %c0_i32_1 = arith.constant 0 : i32
    return %c0_i32, %c0_i32_0 : i32, i32
  }
  func.func @transform_4(%arg0: i32) -> (i32, i32) {
    %c0_i32 = arith.constant 0 : i32
    %c0_i32_0 = arith.constant 0 : i32
    %c0_i32_1 = arith.constant 0 : i32
    return %c0_i32, %c0_i32_0 : i32, i32
  }
  func.func @transform_5(%arg0: i32) -> (i32, i32) {
    %c0_i32 = arith.constant 0 : i32
    %c0_i32_0 = arith.constant 0 : i32
    %c0_i32_1 = arith.constant 0 : i32
    return %c0_i32, %c0_i32_0 : i32, i32
  }
  func.func @transform_6(%arg0: i32) -> (i32, i32) {
    %c0_i32 = arith.constant 0 : i32
    %c0_i32_0 = arith.constant 0 : i32
    %c0_i32_1 = arith.constant 0 : i32
    return %c0_i32, %c0_i32_0 : i32, i32
  }
  func.func @transform_7(%arg0: i32) -> (i32, i32) {
    %c0_i32 = arith.constant 0 : i32
    %c0_i32_0 = arith.constant 0 : i32
    return %arg0, %c0_i32 : i32, i32
  }
}

</mosaic_0001>

<sc_bundles>
// kernel: kernel.4.cloned.1.call-start
scs
__scs_entry_jumppad:
0x0: {  	(pc) =	sbr.rel $0x88, $3  }
0x1: {  	(tag) =	ssettag $0x0;
	lr =	simm.s32 $0x1  }
0x2: {  	[smem:$0x3F9B] =	sst lr;
	_ =	strace $0xD0000000  }
0x3: {  	_ = 	snop  }
0x4: {  	_ = 	snop  }
0x5: {  	_ = 	snop  }
0x6: {  	_ = 	snop  }
0x7: {  	_ = 	snop  }
__scs_overlays_trampoline_lowered:
0x8: {  	[smem:$0x3FAA] =	sst s0  }
0x9: {  	[smem:$0x3FAB] =	sst s1  }
0xa: {  	[smem:$0x3FAC] =	sst s2  }
0xb: {  	[smem:$0x3FAD] =	sst s3  }
0xc: {  	[smem:$0x3FAE] =	sst s4  }
0xd: {  	[smem:$0x3FAF] =	sst s5  }
0xe: {  	[smem:$0x3FB0] =	sst s6  }
0xf: {  	[smem:$0x3FB1] =	sst s7  }
0x10: {  	[smem:$0x3FB2] =	sst s8  }
0x11: {  	[smem:$0x3FB3] =	sst s9;
	s0 =	simm.s32 @!p0 $0x0  }
0x12: {  	s1 =	sld [smem:$0x3F99];
	s0 =	simm.s32 @p0 $0x1  }
0x13: {  	[smem:$0x3FB4] =	sst s0;
	s0 =	simm.s32 @!p1 $0x0  }
0x14: {  	s2 =	sld [smem:$0x3F98];
	s0 =	simm.s32 @p1 $0x1  }
0x15: {  	[smem:$0x3FB5] =	sst s0;
	s0 =	simm.s32 @!p2 $0x0  }
0x16: {  	s3 =	sld [smem:$0x3FDB];
	s0 =	simm.s32 @p2 $0x1  }
0x17: {  	s4 =	simm.s32 $0x1BF5;
	[smem:$0x3FB7] =	sst s0  }
0x18: {  	s0 =	sld [smem:$0x3F9A];
	_ =	swait.ge [sflag:s4], $0x0  }
0x19: {  	s7 =	sld [smem:$0x3F9B]  }
0x1a: {  	s8 =	sadd.s32 $0xFFFFE003, lr  }
0x1b: {  	s9 =	sadd.s32 $0xFFFFFEF7, lr;
	s5 =	simm.s32 $0xFFFFFFFF;
	p2 =	slt.u32 s8, $0xFFFFF086  }
0x1c: {  	p1 =	slt.u32 s9, $0xF7A;
	s5 =	simm.s32 @!p2 $0x0  }
0x1d: {  	s5 =	simm.s32 @p1 $0x1;
	p0 =	seq.s32 s7, s2  }
0x1e: {  	s7 =	smul.u32 @!p0 $0xF7A, s2;
	p2 =	seq.s32 @!p0 s5, $0x0  }
0x1f: {  	s9 =	smul.u32 $0xF7A, s1;
	s8 =	simm.s32 @!p0 $0x1BF5;
	p2 =	por !p2, p0  }
0x20: {  	[sflag:s8] =	ssyncset.s32 @!p0 $0xFFFFF086;
	s6 =	sadd.s32 @!p0 s3, s7;
	s7 =	simm.s32 @!p0 $0x108  }
0x21: {  	s3 =	sadd.s32 s3, s9;
	s6 =	sadd.s32 @!p0 $0x88, s6;
	s7 =	simm.s32 @p2 $0x1082  }
0x22: {  	[simem:s7], [sflag:s8] =	dma.local @!p0 [hbm:s6], $0xF7A  }
0x23: {  	s9 =	sor.u32 $0xD0000000, s2;
	s6 =	simm.s32 $0x108;
	_ =	swait.ge @!p0 [sflag:s8], $0x0  }
0x24: {  	s3 =	sadd.s32 $0x88, s3;
	s6 =	simm.s32 @!p1 $0x1082;
	[sflag:s4] =	ssyncset.s32 $0xFFFFF086  }
0x25: {  	[simem:s6], [sflag:s4] =	dma.local [hbm:s3], $0xF7A  }
0x26: {  	[smem:$0x3F9B] =	sst s1;
	(tag) =	ssettag s2;
	_ =	strace s9  }
0x27: {  	s1 =	sld [smem:$0x3FAB]  }
0x28: {  	s2 =	sld [smem:$0x3FAC]  }
0x29: {  	s4 =	sld [smem:$0x3FAE]  }
0x2a: {  	p0 =	seq.s32 s5, $0x0;
	s5 =	sld [smem:$0x3FAF]  }
0x2b: {  	s6 =	sld [smem:$0x3FB0]  }
0x2c: {  	s7 =	sld [smem:$0x3FB1]  }
0x2d: {  	s3 =	simm.s32 $0x108;
	s8 =	sld [smem:$0x3FB2]  }
0x2e: {  	s3 =	simm.s32 @!p0 $0x1082;
	s9 =	sld [smem:$0x3FB3]  }
0x2f: {  	lr =	sadd.s32 s0, s3;
	s0 =	sld [smem:$0x3FAA]  }
0x30: {  	s3 =	sld [smem:$0x3FAD]  }
0x31: {  	[smem:$0x3FB6] =	sst s10  }
0x32: {  	s10 =	sld [smem:$0x3FB4];
	_ =	sdelay $0x3  }
0x33: {  	p0 =	seq.s32 s10, $0x1;
	s10 =	sld [smem:$0x3FB6];
	_ =	sdelay $0x3  }
0x34: {  	[smem:$0x3FB6] =	sst s10  }
0x35: {  	s10 =	sld [smem:$0x3FB5];
	_ =	sdelay $0x3  }
0x36: {  	p1 =	seq.s32 s10, $0x1;
	s10 =	sld [smem:$0x3FB6];
	_ =	sdelay $0x3  }
0x37: {  	[smem:$0x3FB6] =	sst s10  }
0x38: {  	s10 =	sld [smem:$0x3FB7]  }
0x39: {  	_ = 	snop;
	(pc) =	sbr.ind lr, $3  }
0x3a: {  	_ = 	snop  }
0x3b: {  	_ = 	snop  }
0x3c: {  	p2 =	seq.s32 s10, $0x1;
	s10 =	sld [smem:$0x3FB6]  }
0x3d: {  	_ =	shalt  }
0x3e: {  	_ =	shalt  }
0x3f: {  	_ =	shalt  }
0x40: {  	_ =	shalt  }
0x41: {  	_ =	shalt  }
0x42: {  	_ =	shalt  }
0x43: {  	_ =	shalt  }
0x44: {  	_ =	shalt  }
0x45: {  	_ =	shalt  }
0x46: {  	_ =	shalt  }
0x47: {  	_ =	shalt  }
0x48: {  	_ =	shalt  }
0x49: {  	_ =	shalt  }
0x4a: {  	_ =	shalt  }
0x4b: {  	_ =	shalt  }
0x4c: {  	_ =	shalt  }
0x4d: {  	_ =	shalt  }
0x4e: {  	_ =	shalt  }
0x4f: {  	_ =	shalt  }
0x50: {  	_ =	shalt  }
0x51: {  	_ =	shalt  }
0x52: {  	_ =	shalt  }
0x53: {  	_ =	shalt  }
0x54: {  	_ =	shalt  }
0x55: {  	_ =	shalt  }
0x56: {  	_ =	shalt  }
0x57: {  	_ =	shalt  }
0x58: {  	_ =	shalt  }
0x59: {  	_ =	shalt  }
0x5a: {  	_ =	shalt  }
0x5b: {  	_ =	shalt  }
0x5c: {  	_ =	shalt  }
0x5d: {  	_ =	shalt  }
0x5e: {  	_ =	shalt  }
0x5f: {  	_ =	shalt  }
0x60: {  	_ =	shalt  }
0x61: {  	_ =	shalt  }
0x62: {  	_ =	shalt  }
0x63: {  	_ =	shalt  }
0x64: {  	_ =	shalt  }
0x65: {  	_ =	shalt  }
0x66: {  	_ =	shalt  }
0x67: {  	_ =	shalt  }
0x68: {  	_ =	shalt  }
0x69: {  	_ =	shalt  }
0x6a: {  	_ =	shalt  }
0x6b: {  	_ =	shalt  }
0x6c: {  	_ =	shalt  }
0x6d: {  	_ =	shalt  }
0x6e: {  	_ =	shalt  }
0x6f: {  	_ =	shalt  }
0x70: {  	_ =	shalt  }
0x71: {  	_ =	shalt  }
0x72: {  	_ =	shalt  }
0x73: {  	_ =	shalt  }
0x74: {  	_ =	shalt  }
0x75: {  	_ =	shalt  }
0x76: {  	_ =	shalt  }
0x77: {  	_ =	shalt  }
0x78: {  	_ =	shalt  }
0x79: {  	_ =	shalt  }
0x7a: {  	_ =	shalt  }
0x7b: {  	_ =	shalt  }
0x7c: {  	_ =	shalt  }
0x7d: {  	_ =	shalt  }
0x7e: {  	_ =	shalt  }
0x7f: {  	_ =	shalt  }
0x80: {  	_ =	shalt  }
0x81: {  	_ =	shalt  }
0x82: {  	_ =	shalt  }
0x83: {  	_ =	shalt  }
0x84: {  	_ =	shalt  }
0x85: {  	_ =	shalt  }
0x86: {  	_ =	shalt  }
0x87: {  	_ =	shalt  }
.Lfunc_end0:
.L_simem_size_0:
called_computation_lowered:
.L_overlay_start_0:
0x88: {  	s2 =	sld [smem:$0x3FD9]  }
0x89: {  	s3 =	sld [smem:$0x3FFE];
	_ =	sdelay $0x1  }
0x8a: {  	s1 =	srdreg.scid  }
0x8b: {  	s0 =	sand.u32 $0x1, s1  }
0x8c: {  	s17 =	sshll.u32 s0, $0xA;
	s2 =	sadd.s32 s3, s2  }
0x8d: {  	s2 =	sadd.s32 s2, s17  }
0x8e: {  	[smem:$0x3FC2] =	sst s2  }
0x8f: {  	_ = 	snop  }
0x90: {  	s2 =	sld [smem:$0x3FD0];
	(tm) =	ssettm $0x1  }
0x91: {  	s18 =	sld [smem:$0x3FFB];
	_ =	sdelay $0x3  }
0x92: {  	_ =	strace s18  }
0x93: {  	s3 =	sld [smem:$0x3FFC];
	_ =	sdelay $0x3  }
0x94: {  	_ =	strace s3  }
0x95: {  	s3 =	sld [smem:$0x3FFD];
	_ =	sdelay $0x3  }
0x96: {  	_ =	strace s3  }
0x97: {  	_ =	strace $0x8FFFFFFF  }
0x98: {  	s19 =	sld [smem:$0x3FDB];
	_ =	sdelay $0x1  }
0x99: {  	s4 =	simm.s32 $_scs_section_size  }
0x9a: {  	s5 =	simm.s32 $_size__tile_overlayer_lowered;
	s6 =	simm.s32 $_tile_overlayer_lowered  }
0x9b: {  	s22 =	simm.s32 $0x1BFF;
	s21 =	sshll.u32 s6, $0x1;
	s3 =	sadd.s32 s4, s19  }
0x9c: {  	s7 =	simm.s32 $0x0;
	s20 =	sshll.u32 s5, $0x1;
	s5 =	sadd.s32 s21, s3  }
0x9d: {  	[timem:s7], [sflag:s22] =	dma.local [hbm:s5], s20  }
0x9e: {  	_ =	swait.ge [sflag:s22], s20  }
0x9f: {  	s4 =	ssub.s32 $0x0, s20;
	[sflag:s22] =	ssyncset.done $0x0  }
0xa0: {  	[sflag:s22] =	ssyncadd.s32 s4;
	_ =	sdelay $0x1  }
0xa1: {  	s23 =	simm.s32 $0x1B8B  }
0xa2: {  	_ =	swait.ge [sflag:s23], $0x1  }
0xa3: {  	[sflag:s23] =	ssyncset.done $0x0  }
0xa4: {  	s25 =	simm.s32 $0x1B8E;
	s24 =	sld [smem:$0x3FFE];
	[sflag:s23] =	ssyncadd.s32 $0xFFFFFFFF  }
0xa5: {  	s26 =	simm.s32 $execute0_lowered;
	[smem:$0x3FD2] =	sst s25  }
0xa6: {  	s5 =	sshll.u32 s26, $0x1;
	_ =	strace $0x80000046;
	[dreg:$0x1] =	wrdreg $0xFFFFFFFF  }
0xa7: {  	s28 =	simm.s32 $_size_execute0_lowered;
	s3 =	sadd.s32 s3, s5;
	[dreg:$0x0] =	wrdreg $0x0  }
0xa8: {  	s5 =	sshll.u32 s28, $0x1;
	[dreg:$0x2] =	wrdreg s3  }
0xa9: {  	[dreg:$0x3] =	wrdreg s5  }
0xaa: {  	[dreg:$0x4] =	wrdreg $0xC0  }
0xab: {  	_ =	task [dreg:s7], $0x5FFFF  }
0xac: {  	[dreg:$0x1] =	wrdreg $0xFFFFFFFF  }
0xad: {  	[dreg:$0x0] =	wrdreg $0x60  }
0xae: {  	[dreg:$0x2] =	wrdreg s2  }
0xaf: {  	[dreg:$0x3] =	wrdreg s24  }
0xb0: {  	[dreg:$0x4] =	wrdreg $0xBD000  }
0xb1: {  	[dreg:$0x5] =	wrdreg $0x9  }
0xb2: {  	_ =	task.clear_ibuf [dreg:s7], $0x6FFFF;
	_ =	strace $0x90000046  }
0xb3: {  	s29 =	simm.s32 $0x9;
	_ =	strace $0x80000048  }
0xb4: {  	_ =	swait.ge [sflag:s29], $0x1  }
0xb5: {  	[sflag:s29] =	ssyncadd.s32 $0xFFFFFFFF  }
0xb6: {  	_ =	strace $0x90000048  }
0xb7: {  	_ =	sfence  }
0xb8: {  	s30 =	sld [smem:$0x0];
	_ =	sdelay $0x2  }
0xb9: {  	s31 =	sshll.u32 s1, $0xD;
	s1 =	sshrl.u32 s1, $0x2  }
0xba: {  	s3 =	sand.u32 $0x4000, s31;
	s1 =	sadd.s32 s1, s30  }
0xbb: {  	s0 =	sor.u32 s3, s0;
	s1 =	sshll.u32 s1, $0x11  }
0xbc: {  	s0 =	sor.u32 s1, s0  }
0xbd: {  	s0 =	sadd.s32 $0x8F2B, s0  }
0xbe: {  	[sflag:s0] =	ssyncadd.remote.s32 $0x1  }
0xbf: {  	_ =	sfence.sel $0xFFFF  }
0xc0: {  	[dreg:$0x0] =	wrdreg $0xFFFFFFFF;
	(pc) =	sbr.abs _section_cstart, $3  }
0xc1: {  	[dreg:$0x1] =	wrdreg $0xFFFFFFFF  }
0xc2: {  	_ =	task.clear_ibuf [dreg:s7], $0x2FFFF;
	_ =	strace $0x9FFFFFFF  }
0xc3: {  	(tm) =	ssettm $0x7FFFFFFF  }
tec
execute0_lowered:
.L_overlay_start_1:
0x0: {  	(tag) =	ssettag $0x1  }
0x1: {  	s7 =	rddreg [dreg:$0x0]  }
0x2: {  	s4 =	rddreg [dreg:$0x1]  }
0x3: {  	s2 =	rddreg [dreg:$0x2]  }
0x4: {  	s0 =	rddreg [dreg:$0x3]  }
0x5: {  	s3 =	simm.s32 $0x0;
	s1 =	stileid.u32;
	s8 =	srdreg.scid  }
0x6: {  	s14 =	simm.s32 $0x2;
	s15 =	simm.s32 $0x4E80;
	s18 =	simm.s32 $0x80  }
0x7: {  	s19 =	simm.s32 $0x9D00;
	s20 =	simm.s32 $0x1;
	s21 =	simm.s32 $0x4E00  }
0x8: {  	s22 =	simm.s32 $0x9C80;
	s23 =	simm.s32 $0x0;
	s6 =	smul.u32 $0x9E00, s1  }
0x9: {  	[smem:$0x7FF] =	sst s3;
	s5 =	smul.u32 $0x9D0, s1;
	s8 =	sand.u32 $0x1, s8  }
0xa: {  	s11 =	sadd.s32 $0x28200, s4;
	s16 =	sshll.u32 s1, $0x6;
	s12 =	smul.u32 $0x9E000, s8  }
0xb: {  	_ =	strace $0x80000047;
	s10 =	ssub.s32 $0x2, s8;
	s8 =	smul.u32 $0x13880, s8  }
0xc: {  	s16 =	sor.u32 $0x1C02, s16;
	s9 =	sshrl.u32 s6, $0x3;
	s5 =	sadd.s32 s5, s4  }
0xd: {  	s28 =	sshrl.u32 s10, $0x1;
	s17 =	sadd.s32 s6, s2;
	s9 =	sadd.s32 s9, s4  }
0xe: {  	s13 =	ssub.s32 s10, s28;
	s4 =	sadd.s32 $0xA800, s5;
	s5 =	sadd.s32 $0xA00, s5  }
0xf: {  	s29 =	sadd.s32 s6, s12;
	s31 =	sshrl.u32 s12, $0x3;
	s7 =	sadd.s32 s7, s8  }
0x10: {  	s17 =	sshrl.u32 s17, $0x3;
	s6 =	sadd.s32 $0x14600, s9;
	s30 =	sshrl.u32 s29, $0x3  }
0x11: {  	s9 =	sadd.s32 s11, s31;
	s13 =	smax.u32 s13, $0x1;
	s8 =	sadd.s32 s11, s30  }
0x12: {  	s11 =	sadd.s32 $0x27800, s9;
	s10 =	sadd.s32 $0x27800, s8;
	s12 =	sadd.s32 $0x4F000, s8  }
.LBB2_1:
0x13: {  	[tilespmem:s3], [sflag:$0x2] =	stream.linear.gather [hbm4b:s4+s3], $0x4E80, $0x38;
	[tilespmem:$0x15B00] =	vst v63  }
0x14: {  	_ =	swait.ge [sflag:s14], $0x4E80  }
0x15: {  	[sflag:s14] =	ssyncset.done $0x0  }
0x16: {  	[sflag:s14] =	ssyncadd.s32 $0xFFFFB180  }
0x17: {  	[tilespmem:s15], [sflag:$0x2] =	stream.linear.gather [hbm4b:s5+s3], $0x4E80, $0x38;
	[tilespmem:$0x15B00] =	vst v63  }
0x18: {  	_ =	swait.ge [sflag:s14], $0x4E80  }
0x19: {  	[sflag:s14] =	ssyncset.done $0x0  }
0x1a: {  	[sflag:s14] =	ssyncadd.s32 $0xFFFFB180  }
0x1b: {  	[spmem:s17], [sflag:s16] =	dma.local [hbm:s6], $0x13C0  }
0x1c: {  	_ =	swait.ge [sflag:s14], $0x13C0  }
0x1d: {  	[sflag:s14] =	ssyncset.done $0x0  }
0x1e: {  	[sflag:s14] =	ssyncadd.s32 $0xFFFFEC40  }
0x1f: {  	s24 =	simm.s32 $0x0;
	[bflag:$0x0] =	sbarrier.arrive $0xFFFF  }
0x20: {  	[tilespmem:s19], [sflag:$0x1] =	stream.indirect.gather [hbm4b:s7+s18], $0x40, s24, s18, $0xb8;
	[tilespmem:$0x15B00] =	vst v63  }
0x21: {  	_ =	swait.ge [sflag:s20], $0x2000  }
0x22: {  	[sflag:s20] =	ssyncset.done $0x0  }
0x23: {  	s31 =	simm.s32 $0x4E80;
	[sflag:s20] =	ssyncadd.s32 $0xFFFFE000  }
0x24: {  	[spmem:s2] =	stream.indirect.scatter.add.f32 [tilespmem:s19], [sflag:$0x2], $0x40, s31, s18, $0xb8;
	[tilespmem:$0x15B00] =	vst v63  }
0x25: {  	_ =	swait.ge [sflag:s14], $0x2000  }
0x26: {  	[sflag:s14] =	ssyncset.done $0x0  }
0x27: {  	s25 =	simm.s32 $0x80;
	[sflag:s14] =	ssyncadd.s32 $0xFFFFE000  }
0x28: {  	[tilespmem:s19], [sflag:$0x1] =	stream.indirect.gather [hbm4b:s7+s18], $0x40, s25, s18, $0xb8;
	[tilespmem:$0x15B00] =	vst v63  }
0x29: {  	_ =	swait.ge [sflag:s20], $0x2000  }
0x2a: {  	[sflag:s20] =	ssyncset.done $0x0  }
0x2b: {  	s26 =	simm.s32 $0x4F00;
	[sflag:s20] =	ssyncadd.s32 $0xFFFFE000  }
0x2c: {  	[spmem:s2] =	stream.indirect.scatter.add.f32 [tilespmem:s19], [sflag:$0x2], $0x40, s26, s18, $0xb8;
	[tilespmem:$0x15B00] =	vst v63  }
0x2d: {  	_ =	swait.ge [sflag:s14], $0x2000  }
0x2e: {  	[sflag:s14] =	ssyncset.done $0x0  }
0x2f: {  	s28 =	simm.s32 $0x100;
	[sflag:s14] =	ssyncadd.s32 $0xFFFFE000  }
0x30: {  	[tilespmem:s19], [sflag:$0x1] =	stream.indirect.gather [hbm4b:s7+s18], $0x40, s28, s18, $0xb8;
	[tilespmem:$0x15B00] =	vst v63  }
0x31: {  	_ =	swait.ge [sflag:s20], $0x2000  }
0x32: {  	[sflag:s20] =	ssyncset.done $0x0  }
0x33: {  	s29 =	simm.s32 $0x4F80;
	[sflag:s20] =	ssyncadd.s32 $0xFFFFE000  }
0x34: {  	[spmem:s2] =	stream.indirect.scatter.add.f32 [tilespmem:s19], [sflag:$0x2], $0x40, s29, s18, $0xb8;
	[tilespmem:$0x15B00] =	vst v63  }
0x35: {  	_ =	swait.ge [sflag:s14], $0x2000  }
0x36: {  	[sflag:s14] =	ssyncset.done $0x0  }
0x37: {  	s30 =	simm.s32 $0x180;
	[sflag:s14] =	ssyncadd.s32 $0xFFFFE000  }
0x38: {  	[tilespmem:s19], [sflag:$0x1] =	stream.indirect.gather [hbm4b:s7+s18], $0x40, s30, s18, $0xb8;
	[tilespmem:$0x15B00] =	vst v63  }
0x39: {  	_ =	swait.ge [sflag:s20], $0x2000  }
0x3a: {  	[sflag:s20] =	ssyncset.done $0x0  }
0x3b: {  	s31 =	simm.s32 $0x5000;
	[sflag:s20] =	ssyncadd.s32 $0xFFFFE000  }
0x3c: {  	[spmem:s2] =	stream.indirect.scatter.add.f32 [tilespmem:s19], [sflag:$0x2], $0x40, s31, s18, $0xb8;
	[tilespmem:$0x15B00] =	vst v63  }
0x3d: {  	_ =	swait.ge [sflag:s14], $0x2000  }
0x3e: {  	s24 =	simm.s32 $0x0;
	s25 =	simm.s32 $0x800;
	[sflag:s14] =	ssyncset.done $0x0  }
.LBB2_2:
0x3f: {  	s26 =	sshra.s32 s25, $0x2;
	[sflag:s14] =	ssyncadd.s32 $0xFFFFE000  }
0x40: {  	[tilespmem:s19], [sflag:$0x1] =	stream.indirect.gather [hbm4b:s7+s18], $0x40, s26, s18, $0xb8;
	[tilespmem:$0x15B00] =	vst v63  }
0x41: {  	_ =	swait.ge [sflag:s20], $0x2000  }
0x42: {  	[sflag:s20] =	ssyncset.done $0x0  }
0x43: {  	s28 =	sadd.s32 $0x4E80, s26;
	[sflag:s20] =	ssyncadd.s32 $0xFFFFE000  }
0x44: {  	[spmem:s2] =	stream.indirect.scatter.add.f32 [tilespmem:s19], [sflag:$0x2], $0x40, s28, s18, $0xb8;
	[tilespmem:$0x15B00] =	vst v63  }
0x45: {  	_ =	swait.ge [sflag:s14], $0x2000  }
0x46: {  	[sflag:s14] =	ssyncset.done $0x0  }
0x47: {  	s28 =	sadd.s32 $0x80, s26;
	[sflag:s14] =	ssyncadd.s32 $0xFFFFE000  }
0x48: {  	[tilespmem:s19], [sflag:$0x1] =	stream.indirect.gather [hbm4b:s7+s18], $0x40, s28, s18, $0xb8;
	[tilespmem:$0x15B00] =	vst v63  }
0x49: {  	_ =	swait.ge [sflag:s20], $0x2000  }
0x4a: {  	[sflag:s20] =	ssyncset.done $0x0  }
0x4b: {  	s28 =	sadd.s32 $0x4F00, s26;
	[sflag:s20] =	ssyncadd.s32 $0xFFFFE000  }
0x4c: {  	[spmem:s2] =	stream.indirect.scatter.add.f32 [tilespmem:s19], [sflag:$0x2], $0x40, s28, s18, $0xb8;
	[tilespmem:$0x15B00] =	vst v63  }
0x4d: {  	_ =	swait.ge [sflag:s14], $0x2000  }
0x4e: {  	s24 =	sadd.s32 $0x4, s24;
	[sflag:s14] =	ssyncset.done $0x0  }
0x4f: {  	p0 =	slt.u32 s24, $0x98;
	s28 =	sadd.s32 $0x100, s26;
	[sflag:s14] =	ssyncadd.s32 $0xFFFFE000  }
0x50: {  	[tilespmem:s19], [sflag:$0x1] =	stream.indirect.gather [hbm4b:s7+s18], $0x40, s28, s18, $0xb8;
	[tilespmem:$0x15B00] =	vst v63  }
0x51: {  	_ =	swait.ge [sflag:s20], $0x2000  }
0x52: {  	[sflag:s20] =	ssyncset.done $0x0  }
0x53: {  	s28 =	sadd.s32 $0x4F80, s26;
	[sflag:s20] =	ssyncadd.s32 $0xFFFFE000  }
0x54: {  	[spmem:s2] =	stream.indirect.scatter.add.f32 [tilespmem:s19], [sflag:$0x2], $0x40, s28, s18, $0xb8;
	[tilespmem:$0x15B00] =	vst v63  }
0x55: {  	_ =	swait.ge [sflag:s14], $0x2000  }
0x56: {  	[sflag:s14] =	ssyncset.done $0x0  }
0x57: {  	s28 =	sadd.s32 $0x180, s26;
	[sflag:s14] =	ssyncadd.s32 $0xFFFFE000  }
0x58: {  	[tilespmem:s19], [sflag:$0x1] =	stream.indirect.gather [hbm4b:s7+s18], $0x40, s28, s18, $0xb8;
	[tilespmem:$0x15B00] =	vst v63  }
0x59: {  	_ =	swait.ge [sflag:s20], $0x2000  }
.Ltmp0:
0x5a: {  	[sflag:s20] =	ssyncset.done $0x0;
	(pc) =	sbr.rel @p0 .LBB2_2-.Ltmp0, $4  }
0x5b: {  	s26 =	sadd.s32 $0x5000, s26;
	[sflag:s20] =	ssyncadd.s32 $0xFFFFE000  }
0x5c: {  	[spmem:s2] =	stream.indirect.scatter.add.f32 [tilespmem:s19], [sflag:$0x2], $0x40, s26, s18, $0xb8;
	[tilespmem:$0x15B00] =	vst v63  }
0x5d: {  	_ =	swait.ge [sflag:s14], $0x2000  }
0x5e: {  	s25 =	sadd.s32 $0x800, s25;
	[sflag:s14] =	ssyncset.done $0x0  }
0x5f: {  	[sflag:s14] =	ssyncadd.s32 $0xFFFFE000  }
0x60: {  	[tilespmem:s19], [sflag:$0x1] =	stream.indirect.gather [hbm4b:s7+s18], $0x40, s21, s18, $0xb8;
	[tilespmem:$0x15B00] =	vst v63  }
0x61: {  	_ =	swait.ge [sflag:s20], $0x2000  }
0x62: {  	[sflag:s20] =	ssyncset.done $0x0  }
0x63: {  	[sflag:s20] =	ssyncadd.s32 $0xFFFFE000  }
0x64: {  	[spmem:s2] =	stream.indirect.scatter.add.f32 [tilespmem:s19], [sflag:$0x2], $0x40, s22, s18, $0xb8;
	[tilespmem:$0x15B00] =	vst v63  }
0x65: {  	_ =	swait.ge [sflag:s14], $0x2000  }
0x66: {  	[sflag:s14] =	ssyncset.done $0x0  }
0x67: {  	[sflag:s14] =	ssyncadd.s32 $0xFFFFE000  }
0x68: {  	[bflag:$0x0] =	sbarrier.arrive $0xFFFF  }
0x69: {  	[hbm:s8], [sflag:s16] =	dma.local [spmem:s17], $0x13C0  }
0x6a: {  	_ =	swait.ge [sflag:s14], $0x13C0  }
0x6b: {  	[sflag:s14] =	ssyncset.done $0x0  }
0x6c: {  	[sflag:s14] =	ssyncadd.s32 $0xFFFFEC40  }
0x6d: {  	[spmem:s17], [sflag:s16] =	dma.local [hbm:s6], $0x13C0  }
0x6e: {  	_ =	swait.ge [sflag:s14], $0x13C0  }
0x6f: {  	[sflag:s14] =	ssyncset.done $0x0  }
0x70: {  	[sflag:s14] =	ssyncadd.s32 $0xFFFFEC40  }
0x71: {  	s24 =	simm.s32 $0x0;
	[bflag:$0x0] =	sbarrier.arrive $0xFFFF  }
0x72: {  	[tilespmem:s19], [sflag:$0x1] =	stream.indirect.gather [hbm4b:s9+s18], $0x40, s24, s18, $0xb8;
	[tilespmem:$0x15B00] =	vst v63  }
0x73: {  	_ =	swait.ge [sflag:s20], $0x2000  }
0x74: {  	[sflag:s20] =	ssyncset.done $0x0  }
0x75: {  	s31 =	simm.s32 $0x4E80;
	[sflag:s20] =	ssyncadd.s32 $0xFFFFE000  }
0x76: {  	[spmem:s2] =	stream.indirect.scatter.add.f32 [tilespmem:s19], [sflag:$0x2], $0x40, s31, s18, $0xb8;
	[tilespmem:$0x15B00] =	vst v63  }
0x77: {  	_ =	swait.ge [sflag:s14], $0x2000  }
0x78: {  	[sflag:s14] =	ssyncset.done $0x0  }
0x79: {  	s25 =	simm.s32 $0x80;
	[sflag:s14] =	ssyncadd.s32 $0xFFFFE000  }
0x7a: {  	[tilespmem:s19], [sflag:$0x1] =	stream.indirect.gather [hbm4b:s9+s18], $0x40, s25, s18, $0xb8;
	[tilespmem:$0x15B00] =	vst v63  }
0x7b: {  	_ =	swait.ge [sflag:s20], $0x2000  }
0x7c: {  	[sflag:s20] =	ssyncset.done $0x0  }
0x7d: {  	s26 =	simm.s32 $0x4F00;
	[sflag:s20] =	ssyncadd.s32 $0xFFFFE000  }
0x7e: {  	[spmem:s2] =	stream.indirect.scatter.add.f32 [tilespmem:s19], [sflag:$0x2], $0x40, s26, s18, $0xb8;
	[tilespmem:$0x15B00] =	vst v63  }
0x7f: {  	_ =	swait.ge [sflag:s14], $0x2000  }
0x80: {  	[sflag:s14] =	ssyncset.done $0x0  }
0x81: {  	s28 =	simm.s32 $0x100;
	[sflag:s14] =	ssyncadd.s32 $0xFFFFE000  }
0x82: {  	[tilespmem:s19], [sflag:$0x1] =	stream.indirect.gather [hbm4b:s9+s18], $0x40, s28, s18, $0xb8;
	[tilespmem:$0x15B00] =	vst v63  }
0x83: {  	_ =	swait.ge [sflag:s20], $0x2000  }
0x84: {  	[sflag:s20] =	ssyncset.done $0x0  }
0x85: {  	s29 =	simm.s32 $0x4F80;
	[sflag:s20] =	ssyncadd.s32 $0xFFFFE000  }
0x86: {  	[spmem:s2] =	stream.indirect.scatter.add.f32 [tilespmem:s19], [sflag:$0x2], $0x40, s29, s18, $0xb8;
	[tilespmem:$0x15B00] =	vst v63  }
0x87: {  	_ =	swait.ge [sflag:s14], $0x2000  }
0x88: {  	[sflag:s14] =	ssyncset.done $0x0  }
0x89: {  	s30 =	simm.s32 $0x180;
	[sflag:s14] =	ssyncadd.s32 $0xFFFFE000  }
0x8a: {  	[tilespmem:s19], [sflag:$0x1] =	stream.indirect.gather [hbm4b:s9+s18], $0x40, s30, s18, $0xb8;
	[tilespmem:$0x15B00] =	vst v63  }
0x8b: {  	_ =	swait.ge [sflag:s20], $0x2000  }
0x8c: {  	[sflag:s20] =	ssyncset.done $0x0  }
0x8d: {  	s31 =	simm.s32 $0x5000;
	[sflag:s20] =	ssyncadd.s32 $0xFFFFE000  }
0x8e: {  	[spmem:s2] =	stream.indirect.scatter.add.f32 [tilespmem:s19], [sflag:$0x2], $0x40, s31, s18, $0xb8;
	[tilespmem:$0x15B00] =	vst v63  }
0x8f: {  	_ =	swait.ge [sflag:s14], $0x2000  }
0x90: {  	s24 =	simm.s32 $0x0;
	s25 =	simm.s32 $0x800;
	[sflag:s14] =	ssyncset.done $0x0  }
.LBB2_4:
0x91: {  	s26 =	sshra.s32 s25, $0x2;
	[sflag:s14] =	ssyncadd.s32 $0xFFFFE000  }
0x92: {  	[tilespmem:s19], [sflag:$0x1] =	stream.indirect.gather [hbm4b:s9+s18], $0x40, s26, s18, $0xb8;
	[tilespmem:$0x15B00] =	vst v63  }
0x93: {  	_ =	swait.ge [sflag:s20], $0x2000  }
0x94: {  	[sflag:s20] =	ssyncset.done $0x0  }
0x95: {  	s28 =	sadd.s32 $0x4E80, s26;
	[sflag:s20] =	ssyncadd.s32 $0xFFFFE000  }
0x96: {  	[spmem:s2] =	stream.indirect.scatter.add.f32 [tilespmem:s19], [sflag:$0x2], $0x40, s28, s18, $0xb8;
	[tilespmem:$0x15B00] =	vst v63  }
0x97: {  	_ =	swait.ge [sflag:s14], $0x2000  }
0x98: {  	[sflag:s14] =	ssyncset.done $0x0  }
0x99: {  	s28 =	sadd.s32 $0x80, s26;
	[sflag:s14] =	ssyncadd.s32 $0xFFFFE000  }
0x9a: {  	[tilespmem:s19], [sflag:$0x1] =	stream.indirect.gather [hbm4b:s9+s18], $0x40, s28, s18, $0xb8;
	[tilespmem:$0x15B00] =	vst v63  }
0x9b: {  	_ =	swait.ge [sflag:s20], $0x2000  }
0x9c: {  	[sflag:s20] =	ssyncset.done $0x0  }
0x9d: {  	s28 =	sadd.s32 $0x4F00, s26;
	[sflag:s20] =	ssyncadd.s32 $0xFFFFE000  }
0x9e: {  	[spmem:s2] =	stream.indirect.scatter.add.f32 [tilespmem:s19], [sflag:$0x2], $0x40, s28, s18, $0xb8;
	[tilespmem:$0x15B00] =	vst v63  }
0x9f: {  	_ =	swait.ge [sflag:s14], $0x2000  }
0xa0: {  	s24 =	sadd.s32 $0x4, s24;
	[sflag:s14] =	ssyncset.done $0x0  }
0xa1: {  	p0 =	slt.u32 s24, $0x98;
	s28 =	sadd.s32 $0x100, s26;
	[sflag:s14] =	ssyncadd.s32 $0xFFFFE000  }
0xa2: {  	[tilespmem:s19], [sflag:$0x1] =	stream.indirect.gather [hbm4b:s9+s18], $0x40, s28, s18, $0xb8;
	[tilespmem:$0x15B00] =	vst v63  }
0xa3: {  	_ =	swait.ge [sflag:s20], $0x2000  }
0xa4: {  	[sflag:s20] =	ssyncset.done $0x0  }
0xa5: {  	s28 =	sadd.s32 $0x4F80, s26;
	[sflag:s20] =	ssyncadd.s32 $0xFFFFE000  }
0xa6: {  	[spmem:s2] =	stream.indirect.scatter.add.f32 [tilespmem:s19], [sflag:$0x2], $0x40, s28, s18, $0xb8;
	[tilespmem:$0x15B00] =	vst v63  }
0xa7: {  	_ =	swait.ge [sflag:s14], $0x2000  }
0xa8: {  	[sflag:s14] =	ssyncset.done $0x0  }
0xa9: {  	s28 =	sadd.s32 $0x180, s26;
	[sflag:s14] =	ssyncadd.s32 $0xFFFFE000  }
0xaa: {  	[tilespmem:s19], [sflag:$0x1] =	stream.indirect.gather [hbm4b:s9+s18], $0x40, s28, s18, $0xb8;
	[tilespmem:$0x15B00] =	vst v63  }
0xab: {  	_ =	swait.ge [sflag:s20], $0x2000  }
.Ltmp1:
0xac: {  	[sflag:s20] =	ssyncset.done $0x0;
	(pc) =	sbr.rel @p0 .LBB2_4-.Ltmp1, $4  }
0xad: {  	s26 =	sadd.s32 $0x5000, s26;
	[sflag:s20] =	ssyncadd.s32 $0xFFFFE000  }
0xae: {  	[spmem:s2] =	stream.indirect.scatter.add.f32 [tilespmem:s19], [sflag:$0x2], $0x40, s26, s18, $0xb8;
	[tilespmem:$0x15B00] =	vst v63  }
0xaf: {  	_ =	swait.ge [sflag:s14], $0x2000  }
0xb0: {  	s25 =	sadd.s32 $0x800, s25;
	[sflag:s14] =	ssyncset.done $0x0  }
0xb1: {  	[sflag:s14] =	ssyncadd.s32 $0xFFFFE000  }
0xb2: {  	[tilespmem:s19], [sflag:$0x1] =	stream.indirect.gather [hbm4b:s9+s18], $0x40, s21, s18, $0xb8;
	[tilespmem:$0x15B00] =	vst v63  }
0xb3: {  	_ =	swait.ge [sflag:s20], $0x2000  }
0xb4: {  	[sflag:s20] =	ssyncset.done $0x0  }
0xb5: {  	[sflag:s20] =	ssyncadd.s32 $0xFFFFE000  }
0xb6: {  	[spmem:s2] =	stream.indirect.scatter.add.f32 [tilespmem:s19], [sflag:$0x2], $0x40, s22, s18, $0xb8;
	[tilespmem:$0x15B00] =	vst v63  }
0xb7: {  	_ =	swait.ge [sflag:s14], $0x2000  }
0xb8: {  	[sflag:s14] =	ssyncset.done $0x0  }
0xb9: {  	[sflag:s14] =	ssyncadd.s32 $0xFFFFE000  }
0xba: {  	[bflag:$0x0] =	sbarrier.arrive $0xFFFF  }
0xbb: {  	[hbm:s10], [sflag:s16] =	dma.local [spmem:s17], $0x13C0  }
0xbc: {  	_ =	swait.ge [sflag:s14], $0x13C0  }
0xbd: {  	[sflag:s14] =	ssyncset.done $0x0  }
0xbe: {  	[sflag:s14] =	ssyncadd.s32 $0xFFFFEC40  }
0xbf: {  	[spmem:s17], [sflag:s16] =	dma.local [hbm:s6], $0x13C0  }
0xc0: {  	_ =	swait.ge [sflag:s14], $0x13C0  }
0xc1: {  	[sflag:s14] =	ssyncset.done $0x0  }
0xc2: {  	[sflag:s14] =	ssyncadd.s32 $0xFFFFEC40  }
0xc3: {  	s24 =	simm.s32 $0x0;
	[bflag:$0x0] =	sbarrier.arrive $0xFFFF  }
0xc4: {  	[tilespmem:s19], [sflag:$0x1] =	stream.indirect.gather [hbm4b:s11+s18], $0x40, s24, s18, $0xb8;
	[tilespmem:$0x15B00] =	vst v63  }
0xc5: {  	_ =	swait.ge [sflag:s20], $0x2000  }
0xc6: {  	[sflag:s20] =	ssyncset.done $0x0  }
0xc7: {  	s31 =	simm.s32 $0x4E80;
	[sflag:s20] =	ssyncadd.s32 $0xFFFFE000  }
0xc8: {  	[spmem:s2] =	stream.indirect.scatter.add.f32 [tilespmem:s19], [sflag:$0x2], $0x40, s31, s18, $0xb8;
	[tilespmem:$0x15B00] =	vst v63  }
0xc9: {  	_ =	swait.ge [sflag:s14], $0x2000  }
0xca: {  	[sflag:s14] =	ssyncset.done $0x0  }
0xcb: {  	s25 =	simm.s32 $0x80;
	[sflag:s14] =	ssyncadd.s32 $0xFFFFE000  }
0xcc: {  	[tilespmem:s19], [sflag:$0x1] =	stream.indirect.gather [hbm4b:s11+s18], $0x40, s25, s18, $0xb8;
	[tilespmem:$0x15B00] =	vst v63  }
0xcd: {  	_ =	swait.ge [sflag:s20], $0x2000  }
0xce: {  	[sflag:s20] =	ssyncset.done $0x0  }
0xcf: {  	s26 =	simm.s32 $0x4F00;
	[sflag:s20] =	ssyncadd.s32 $0xFFFFE000  }
0xd0: {  	[spmem:s2] =	stream.indirect.scatter.add.f32 [tilespmem:s19], [sflag:$0x2], $0x40, s26, s18, $0xb8;
	[tilespmem:$0x15B00] =	vst v63  }
0xd1: {  	_ =	swait.ge [sflag:s14], $0x2000  }
0xd2: {  	[sflag:s14] =	ssyncset.done $0x0  }
0xd3: {  	s28 =	simm.s32 $0x100;
	[sflag:s14] =	ssyncadd.s32 $0xFFFFE000  }
0xd4: {  	[tilespmem:s19], [sflag:$0x1] =	stream.indirect.gather [hbm4b:s11+s18], $0x40, s28, s18, $0xb8;
	[tilespmem:$0x15B00] =	vst v63  }
0xd5: {  	_ =	swait.ge [sflag:s20], $0x2000  }
0xd6: {  	[sflag:s20] =	ssyncset.done $0x0  }
0xd7: {  	s29 =	simm.s32 $0x4F80;
	[sflag:s20] =	ssyncadd.s32 $0xFFFFE000  }
0xd8: {  	[spmem:s2] =	stream.indirect.scatter.add.f32 [tilespmem:s19], [sflag:$0x2], $0x40, s29, s18, $0xb8;
	[tilespmem:$0x15B00] =	vst v63  }
0xd9: {  	_ =	swait.ge [sflag:s14], $0x2000  }
0xda: {  	[sflag:s14] =	ssyncset.done $0x0  }
0xdb: {  	s30 =	simm.s32 $0x180;
	[sflag:s14] =	ssyncadd.s32 $0xFFFFE000  }
0xdc: {  	[tilespmem:s19], [sflag:$0x1] =	stream.indirect.gather [hbm4b:s11+s18], $0x40, s30, s18, $0xb8;
	[tilespmem:$0x15B00] =	vst v63  }
0xdd: {  	_ =	swait.ge [sflag:s20], $0x2000  }
0xde: {  	[sflag:s20] =	ssyncset.done $0x0  }
0xdf: {  	s31 =	simm.s32 $0x5000;
	[sflag:s20] =	ssyncadd.s32 $0xFFFFE000  }
0xe0: {  	[spmem:s2] =	stream.indirect.scatter.add.f32 [tilespmem:s19], [sflag:$0x2], $0x40, s31, s18, $0xb8;
	[tilespmem:$0x15B00] =	vst v63  }
0xe1: {  	_ =	swait.ge [sflag:s14], $0x2000  }
0xe2: {  	s24 =	simm.s32 $0x0;
	s25 =	simm.s32 $0x800;
	[sflag:s14] =	ssyncset.done $0x0  }
.LBB2_6:
0xe3: {  	s26 =	sshra.s32 s25, $0x2;
	[sflag:s14] =	ssyncadd.s32 $0xFFFFE000  }
0xe4: {  	[tilespmem:s19], [sflag:$0x1] =	stream.indirect.gather [hbm4b:s11+s18], $0x40, s26, s18, $0xb8;
	[tilespmem:$0x15B00] =	vst v63  }
0xe5: {  	_ =	swait.ge [sflag:s20], $0x2000  }
0xe6: {  	[sflag:s20] =	ssyncset.done $0x0  }
0xe7: {  	s28 =	sadd.s32 $0x4E80, s26;
	[sflag:s20] =	ssyncadd.s32 $0xFFFFE000  }
0xe8: {  	[spmem:s2] =	stream.indirect.scatter.add.f32 [tilespmem:s19], [sflag:$0x2], $0x40, s28, s18, $0xb8;
	[tilespmem:$0x15B00] =	vst v63  }
0xe9: {  	_ =	swait.ge [sflag:s14], $0x2000  }
0xea: {  	[sflag:s14] =	ssyncset.done $0x0  }
0xeb: {  	s28 =	sadd.s32 $0x80, s26;
	[sflag:s14] =	ssyncadd.s32 $0xFFFFE000  }
0xec: {  	[tilespmem:s19], [sflag:$0x1] =	stream.indirect.gather [hbm4b:s11+s18], $0x40, s28, s18, $0xb8;
	[tilespmem:$0x15B00] =	vst v63  }
0xed: {  	_ =	swait.ge [sflag:s20], $0x2000  }
0xee: {  	[sflag:s20] =	ssyncset.done $0x0  }
0xef: {  	s28 =	sadd.s32 $0x4F00, s26;
	[sflag:s20] =	ssyncadd.s32 $0xFFFFE000  }
0xf0: {  	[spmem:s2] =	stream.indirect.scatter.add.f32 [tilespmem:s19], [sflag:$0x2], $0x40, s28, s18, $0xb8;
	[tilespmem:$0x15B00] =	vst v63  }
0xf1: {  	_ =	swait.ge [sflag:s14], $0x2000  }
0xf2: {  	s24 =	sadd.s32 $0x4, s24;
	[sflag:s14] =	ssyncset.done $0x0  }
0xf3: {  	p0 =	slt.u32 s24, $0x98;
	s28 =	sadd.s32 $0x100, s26;
	[sflag:s14] =	ssyncadd.s32 $0xFFFFE000  }
0xf4: {  	[tilespmem:s19], [sflag:$0x1] =	stream.indirect.gather [hbm4b:s11+s18], $0x40, s28, s18, $0xb8;
	[tilespmem:$0x15B00] =	vst v63  }
0xf5: {  	_ =	swait.ge [sflag:s20], $0x2000  }
0xf6: {  	[sflag:s20] =	ssyncset.done $0x0  }
0xf7: {  	s28 =	sadd.s32 $0x4F80, s26;
	[sflag:s20] =	ssyncadd.s32 $0xFFFFE000  }
0xf8: {  	[spmem:s2] =	stream.indirect.scatter.add.f32 [tilespmem:s19], [sflag:$0x2], $0x40, s28, s18, $0xb8;
	[tilespmem:$0x15B00] =	vst v63  }
0xf9: {  	_ =	swait.ge [sflag:s14], $0x2000  }
0xfa: {  	[sflag:s14] =	ssyncset.done $0x0  }
0xfb: {  	s28 =	sadd.s32 $0x180, s26;
	[sflag:s14] =	ssyncadd.s32 $0xFFFFE000  }
0xfc: {  	[tilespmem:s19], [sflag:$0x1] =	stream.indirect.gather [hbm4b:s11+s18], $0x40, s28, s18, $0xb8;
	[tilespmem:$0x15B00] =	vst v63  }
0xfd: {  	_ =	swait.ge [sflag:s20], $0x2000  }
.Ltmp2:
0xfe: {  	[sflag:s20] =	ssyncset.done $0x0;
	(pc) =	sbr.rel @p0 .LBB2_6-.Ltmp2, $4  }
0xff: {  	s26 =	sadd.s32 $0x5000, s26;
	[sflag:s20] =	ssyncadd.s32 $0xFFFFE000  }
0x100: {  	[spmem:s2] =	stream.indirect.scatter.add.f32 [tilespmem:s19], [sflag:$0x2], $0x40, s26, s18, $0xb8;
	[tilespmem:$0x15B00] =	vst v63  }
0x101: {  	_ =	swait.ge [sflag:s14], $0x2000  }
0x102: {  	s25 =	sadd.s32 $0x800, s25;
	[sflag:s14] =	ssyncset.done $0x0  }
0x103: {  	[sflag:s14] =	ssyncadd.s32 $0xFFFFE000  }
0x104: {  	[tilespmem:s19], [sflag:$0x1] =	stream.indirect.gather [hbm4b:s11+s18], $0x40, s21, s18, $0xb8;
	[tilespmem:$0x15B00] =	vst v63  }
0x105: {  	_ =	swait.ge [sflag:s20], $0x2000  }
0x106: {  	[sflag:s20] =	ssyncset.done $0x0  }
0x107: {  	[sflag:s20] =	ssyncadd.s32 $0xFFFFE000  }
0x108: {  	[spmem:s2] =	stream.indirect.scatter.add.f32 [tilespmem:s19], [sflag:$0x2], $0x40, s22, s18, $0xb8;
	[tilespmem:$0x15B00] =	vst v63  }
0x109: {  	_ =	swait.ge [sflag:s14], $0x2000  }
0x10a: {  	[sflag:s14] =	ssyncset.done $0x0  }
0x10b: {  	s23 =	sadd.s32 $0x1, s23;
	[sflag:s14] =	ssyncadd.s32 $0xFFFFE000  }
0x10c: {  	p0 =	sne.s32 s23, s13;
	[bflag:$0x0] =	sbarrier.arrive $0xFFFF  }
0x10d: {  	[hbm:s12], [sflag:s16] =	dma.local [spmem:s17], $0x13C0  }
.Ltmp3:
0x10e: {  	_ =	swait.ge [sflag:s14], $0x13C0;
	(pc) =	sbr.rel @p0 .LBB2_1-.Ltmp3, $3  }
0x10f: {  	[sflag:s14] =	ssyncset.done $0x0  }
0x110: {  	[sflag:s14] =	ssyncadd.s32 $0xFFFFEC40  }
0x111: {  	[bflag:$0x0] =	sbarrier.arrive $0xFFFF;
	_ =	sdelay $0x1  }
0x112: {  	_ =	sfence.sel $0x180000  }
0x113: {  	[bflag:$0x0] =	sbarrier.arrive $0xFFFF  }
0x114: {  	p0 =	sne.s32 s1, $0x0;
	_ =	strace $0x90000047  }
0x115: {  	s0 =	sadd.s32 @!p0 $0x100000, s0;
	[bflag:$0x2] =	sbarrier.arrive $0xFFFF  }
0x116: {  	[sflag:s0] =	ssyncadd.tile.s32 @!p0 $0x1;
	_ =	shalt  }
.Lfunc_end2:
_tile_overlayer_lowered:
.L_overlay_start_2:
0x117: {  	(tag) =	ssettag $0x2  }
0x118: {  	s0 =	rddreg [dreg:$0x0];
	s2 =	stileid.u32  }
0x119: {  	s1 =	rddreg [dreg:$0x1];
	p0 =	sne.s32 s2, $0x0  }
0x11a: {  	s3 =	rddreg [dreg:$0x2];
	[bflag:$0x3] =	sbarrier.arrive $0xFFFF;
	s2 =	simm.s32 @!p0 $0x1C02  }
0x11b: {  	[timem:s3], [sflag:s2] =	dma.local @!p0 [hbm:s0], s1  }
0x11c: {  	s0 =	simm.s32 @!p0 $0x2  }
0x11d: {  	_ =	swait.ge @!p0 [sflag:s0], s1  }
0x11e: {  	s1 =	ssub.s32 @!p0 $0x0, s1;
	[sflag:s0] =	ssyncset.done @!p0 $0x0  }
0x11f: {  	[sflag:s0] =	ssyncadd.s32 @!p0 s1  }
0x120: {  	[bflag:$0x3] =	sbarrier.arrive $0xFFFF  }
0x121: {  	_ =	shalt  }

</sc_bundles>
